<compile_context>
chip_gen: v7x
topology: tpu7x:2x2x1
jax: 0.10.2.dev20260603
libtpu: 0.0.44.dev20260713+nightly
codegen_flags: <defaults>
</compile_context>

<pallas_src>
import functools

import numpy as np

import jax
import jax.numpy as jnp
from jax import lax
from jax.experimental import pallas as pl
from jax.experimental.pallas import tpu as pltpu
from jax.experimental.pallas import tpu_sc as plsc

_N = 1000000
_B = 16384
_D = 16
_ODIM = 10
_NIG = 10
_NGG = 21

_NC, _NS, _L = 2, 16, 16
_NW = _NC * _NS
_BPW = _B // _NW
_CW = 128
_CH = _BPW // _CW
_G = _BPW // _L

_CBI = 8192
_NBLK = pl.cdiv(_N, _CBI)
_PR = _NBLK * (_CBI // 8)


def _detile_body(x_ref, o_ref):
    x = x_ref[...]
    row = lax.broadcasted_iota(jnp.int32, (_D, 128), 0)
    col = lax.broadcasted_iota(jnp.int32, (_D, 128), 1)
    acc = None
    for s in range(8):
        xs = x[:, s * (_CBI // 8):(s + 1) * (_CBI // 8)]
        es = (col == row + 16 * s).astype(jnp.float32)
        part = jax.lax.dot_general(
            xs, es, (((0,), (0,)), ((), ())),
            preferred_element_type=jnp.float32)
        acc = part if acc is None else acc + part
    o_ref[...] = acc


_detile = pl.pallas_call(
    _detile_body,
    grid=(_NBLK,),
    in_specs=[pl.BlockSpec((_D, _CBI), lambda i: (0, i))],
    out_specs=pl.BlockSpec((_CBI // 8, 128), lambda i: (i, 0)),
    out_shape=jax.ShapeDtypeStruct((_PR, 128), jnp.float32),
)

_mesh = plsc.VectorSubcoreMesh(core_axis_name="c", subcore_axis_name="s")


@functools.partial(
    pl.kernel,
    mesh=_mesh,
    out_type=jax.ShapeDtypeStruct((_ODIM, _B), jnp.float32),
    compiler_params=pltpu.CompilerParams(
        needs_layout_passes=False, use_tc_tiling_on_sc=True),
    scratch_types=[
        pltpu.VMEM((_CH, _CW), jnp.int32),
        pltpu.VMEM((_BPW, 128), jnp.float32),
        pltpu.VMEM((_BPW,), jnp.int32),
        pltpu.VMEM((_BPW,), jnp.int32),
        pltpu.VMEM((_BPW,), jnp.int32),
        pltpu.VMEM((_ODIM * _D,), jnp.float32),
        pltpu.VMEM((_NIG * _ODIM,), jnp.float32),
        pltpu.VMEM((_NGG * _ODIM,), jnp.float32),
        pltpu.VMEM((_ODIM, _BPW), jnp.float32),
        pltpu.SemaphoreType.DMA,
    ],
)
def _tower_sc(rid_hbm, off_hbm, ig_hbm, gg_hbm, p_hbm, w16_hbm, t1_hbm,
              t2_hbm, out_hbm, idx_v, rows_v, off_v, ig_v, gg_v, w16_v, t1_v,
              t2_v, out_v, sem):
    c = lax.axis_index("c")
    s = lax.axis_index("s")
    wid = s * _NC + c
    base = wid * _BPW

    pltpu.sync_copy(rid_hbm.at[wid], idx_v)
    gathers = [
        pltpu.async_copy(p_hbm.at[idx_v.at[ci]],
                         rows_v.at[pl.ds(ci * _CW, _CW)], sem)
        for ci in range(_CH)
    ]
    pltpu.sync_copy(off_hbm.at[wid], off_v)
    pltpu.sync_copy(ig_hbm.at[wid], ig_v)
    pltpu.sync_copy(gg_hbm.at[wid], gg_v)
    pltpu.sync_copy(w16_hbm, w16_v)
    pltpu.sync_copy(t1_hbm, t1_v)
    pltpu.sync_copy(t2_hbm, t2_v)
    for g in gathers:
        g.wait()

    wrows = [w16_v[pl.ds(j * _D, _D)] for j in range(_ODIM)]
    ws = [[wrows[j][k] for k in range(_D)] for j in range(_ODIM)]

    def group(g, carry):
        ivec = g * _L + lax.iota(jnp.int32, _L)
        offs = off_v[pl.ds(g * _L, _L)]
        igv = ig_v[pl.ds(g * _L, _L)] * _ODIM
        ggv = gg_v[pl.ds(g * _L, _L)] * _ODIM
        es = [
            jnp.maximum(plsc.load_gather(rows_v, [ivec, offs + k]), 0.0)
            for k in range(_D)
        ]
        for j in range(_ODIM):
            acc = (plsc.load_gather(t1_v, [igv + j])
                   + plsc.load_gather(t2_v, [ggv + j]))
            for k in range(_D):
                acc = acc + es[k] * ws[j][k]
            out_v[j, pl.ds(g * _L, _L)] = acc
        return carry

    lax.fori_loop(0, _G, group, 0)
    pltpu.sync_copy(out_v, out_hbm.at[:, pl.ds(base, _BPW)])


def kernel(item_ids, index_group_names, garment_group_names, emb_table, W, b):
    ids = item_ids.astype(jnp.int32)
    blk, l = ids // _CBI, ids % _CBI
    rid = (blk * (_CBI // 8) + l % (_CBI // 8)).reshape(_NW, _CH, _CW)
    off = ((l // (_CBI // 8)) * _D).reshape(_NW, _BPW)
    ig = index_group_names.astype(jnp.int32).reshape(_NW, _BPW)
    gg = garment_group_names.astype(jnp.int32).reshape(_NW, _BPW)
    w16 = W[:, :_D].reshape(-1)
    t1 = (W[:, _D:_D + _NIG].T + b[None, :]).reshape(-1)
    t2 = W[:, _D + _NIG:].T.reshape(-1)
    p = _detile(emb_table.T)
    return _tower_sc(rid, off, ig, gg, p, w16, t1, t2).T

# --- scband reference (transcript-rebuilt; emitter-appended) ---
"""Pipeline reference for scband-item-tower-23957327577554 (READ-ONLY COPY).

The authoritative reference and input builder live on the scoring server;
editing this copy changes nothing except your own understanding.
"""

import jax, jax.numpy as jnp
import numpy as np

NUM_ITEMS = 1000000
NUM_INDEX_GROUPS = 10
NUM_GARMENT_GROUPS = 21
ITEM_EMB_DIM = 16
OUTPUT_DIM = 10
BATCH = 16384

def setup_inputs(seed: int = 0) -> dict:
    key = jax.random.key(seed)
    k1, k2, k3, k4, k5, k6 = jax.random.split(key, 6)
    item_ids = jax.random.randint(k1, (BATCH,), 0, NUM_ITEMS, dtype=jnp.int64 if jax.config.jax_enable_x64 else jnp.int32)
    index_group_names = jax.random.randint(k2, (BATCH,), 0, NUM_INDEX_GROUPS, dtype=jnp.int32)
    garment_group_names = jax.random.randint(k3, (BATCH,), 0, NUM_GARMENT_GROUPS, dtype=jnp.int32)
    emb_table = jax.random.normal(k4, (NUM_ITEMS, ITEM_EMB_DIM), dtype=jnp.float32)
    in_dim = ITEM_EMB_DIM + NUM_INDEX_GROUPS + NUM_GARMENT_GROUPS
    bound = 1.0 / np.sqrt(in_dim)
    W = jax.random.uniform(k5, (OUTPUT_DIM, in_dim), minval=-bound, maxval=bound, dtype=jnp.float32)
    b = jax.random.uniform(k6, (OUTPUT_DIM,), minval=-bound, maxval=bound, dtype=jnp.float32)
    return {"item_ids": item_ids, "index_group_names": index_group_names, "garment_group_names": garment_group_names, "emb_table": emb_table, "W": W, "b": b}

def reference(item_ids, index_group_names, garment_group_names, emb_table, W, b):
    item_features = jnp.take(emb_table, item_ids, axis=0)
    index_group_features = jax.nn.one_hot(index_group_names, NUM_INDEX_GROUPS, dtype=jnp.float32)
    garment_group_features = jax.nn.one_hot(garment_group_names, NUM_GARMENT_GROUPS, dtype=jnp.float32)
    features = jnp.concatenate([item_features, index_group_features, garment_group_features], axis=1)
    features = jax.nn.relu(features)
    return features @ W.T + b

if __name__ == "__main__":
    import jax
    _d = setup_inputs()
    print(jax.jit(kernel)(*tuple(_d.values())))

</pallas_src>

<mosaic_0001>
#map = affine_map<(d0, d1) -> (0, 0, 0)>
#map1 = affine_map<(d0, d1) -> (0, 0)>
#map2 = affine_map<(d0, d1) -> (0)>
module attributes {stable_mosaic.version = 14 : i64} {
  func.func @_tower_sc(%arg0: i32, %arg1: i32, %arg2: memref<32x4x128xi32, #tpu.memory_space<hbm>>, %arg3: memref<32x512xi32, #tpu.memory_space<hbm>>, %arg4: memref<32x512xi32, #tpu.memory_space<hbm>>, %arg5: memref<32x512xi32, #tpu.memory_space<hbm>>, %arg6: memref<125952x128xf32, #tpu.memory_space<hbm>>, %arg7: memref<160xf32, #tpu.memory_space<hbm>>, %arg8: memref<100xf32, #tpu.memory_space<hbm>>, %arg9: memref<210xf32, #tpu.memory_space<hbm>>, %arg10: memref<10x16384xf32, #tpu.memory_space<hbm>>, %arg11: memref<4x128xi32, #tpu.memory_space<vmem>>, %arg12: memref<512x128xf32, #tpu.memory_space<vmem>>, %arg13: memref<512xi32, #tpu.memory_space<vmem>>, %arg14: memref<512xi32, #tpu.memory_space<vmem>>, %arg15: memref<512xi32, #tpu.memory_space<vmem>>, %arg16: memref<160xf32, #tpu.memory_space<vmem>>, %arg17: memref<100xf32, #tpu.memory_space<vmem>>, %arg18: memref<210xf32, #tpu.memory_space<vmem>>, %arg19: memref<10x512xf32, #tpu.memory_space<vmem>>, %arg20: memref<!tpu.dma_semaphore, #tpu.memory_space<semaphore_mem>>) attributes {dimension_semantics = [#tpu.dimension_semantics<core_parallel>, #tpu.dimension_semantics<subcore_parallel>], iteration_bounds = array<i64: 2, 16>, scalar_prefetch = 0 : i64, scratch_operands = 10 : i64, tpu.core_type = #tpu.core_type<sc_vector_subcore>, window_params = [{transform_indices = #map}, {transform_indices = #map1}, {transform_indices = #map1}, {transform_indices = #map1}, {transform_indices = #map1}, {transform_indices = #map2}, {transform_indices = #map2}, {transform_indices = #map2}, {transform_indices = #map1}]} {
    %mul3A = arith.constant 2 : i32
    %mul3A_0 = arith.muli %arg1, %mul3A : i32
    %add3A = arith.addi %mul3A_0, %arg0 : i32
    %mul3A_1 = arith.constant 512 : i32
    %mul3A_2 = arith.muli %add3A, %mul3A_1 : i32
    "tpu.region"() ({
      %run_scoped3A = tpu.sem_alloc : memref<!tpu.dma_semaphore, #tpu.memory_space<semaphore_mem>>
      %dma_start3A_423 = arith.constant 0 : i32
      %dma_start3A_424 = arith.constant 0 : i32
      %dma_start3A_425 = tpu.memref_slice %arg2[%add3A, %dma_start3A_423, %dma_start3A_424] : memref<32x4x128xi32, #tpu.memory_space<hbm>> -> memref<1x4x128xi32, #tpu.memory_space<hbm>>
      %dma_start3A_426 = tpu.memref_squeeze %dma_start3A_425 : memref<1x4x128xi32, #tpu.memory_space<hbm>> -> memref<4x128xi32, #tpu.memory_space<hbm>>
      %dma_start3A_427 = arith.constant 0 : i32
      %dma_start3A_428 = arith.constant 0 : i32
      %dma_start3A_429 = tpu.memref_slice %arg2[%add3A, %dma_start3A_427, %dma_start3A_428] : memref<32x4x128xi32, #tpu.memory_space<hbm>> -> memref<1x4x128xi32, #tpu.memory_space<hbm>>
      %dma_start3A_430 = tpu.memref_squeeze %dma_start3A_429 : memref<1x4x128xi32, #tpu.memory_space<hbm>> -> memref<4x128xi32, #tpu.memory_space<hbm>>
      tpu.enqueue_dma source(%dma_start3A_430 : memref<4x128xi32, #tpu.memory_space<hbm>>) target(%arg11 : memref<4x128xi32, #tpu.memory_space<vmem>>) target_semaphore(%run_scoped3A : memref<!tpu.dma_semaphore, #tpu.memory_space<semaphore_mem>>)
      %dma_wait3A_431 = arith.constant 0 : i32
      %dma_wait3A_432 = arith.constant 0 : i32
      %dma_wait3A_433 = tpu.memref_slice %arg2[%add3A, %dma_wait3A_431, %dma_wait3A_432] : memref<32x4x128xi32, #tpu.memory_space<hbm>> -> memref<1x4x128xi32, #tpu.memory_space<hbm>>
      %dma_wait3A_434 = tpu.memref_squeeze %dma_wait3A_433 : memref<1x4x128xi32, #tpu.memory_space<hbm>> -> memref<4x128xi32, #tpu.memory_space<hbm>>
      %dma_wait3A_435 = arith.constant 0 : i32
      %dma_wait3A_436 = arith.constant 0 : i32
      %dma_wait3A_437 = tpu.memref_slice %arg2[%add3A, %dma_wait3A_435, %dma_wait3A_436] : memref<32x4x128xi32, #tpu.memory_space<hbm>> -> memref<1x4x128xi32, #tpu.memory_space<hbm>>
      %dma_wait3A_438 = tpu.memref_squeeze %dma_wait3A_437 : memref<1x4x128xi32, #tpu.memory_space<hbm>> -> memref<4x128xi32, #tpu.memory_space<hbm>>
      tpu.wait_dma2 semaphore(%run_scoped3A : memref<!tpu.dma_semaphore, #tpu.memory_space<semaphore_mem>>) src(%dma_wait3A_438 : memref<4x128xi32, #tpu.memory_space<hbm>>) dst(%arg11 : memref<4x128xi32, #tpu.memory_space<vmem>>)
      tpu.yield
    }) : () -> ()
    %dma_start3A = arith.constant 0 : i32
    %dma_start3A_3 = arith.constant 0 : i32
    %dma_start3A_4 = arith.constant 0 : i32
    %dma_start3A_5 = tpu.memref_slice %arg12[%dma_start3A_3, %dma_start3A_4] : memref<512x128xf32, #tpu.memory_space<vmem>> -> memref<128x128xf32, #tpu.memory_space<vmem>>
    %dma_start3A_6 = arith.constant 0 : i32
    %dma_start3A_7 = tpu.memref_slice %arg11[%dma_start3A, %dma_start3A_6] : memref<4x128xi32, #tpu.memory_space<vmem>> -> memref<1x128xi32, #tpu.memory_space<vmem>>
    %dma_start3A_8 = tpu.memref_squeeze %dma_start3A_7 : memref<1x128xi32, #tpu.memory_space<vmem>> -> memref<128xi32, #tpu.memory_space<vmem>>
    %dma_start3A_9 = arith.constant 0 : i32
    %dma_start3A_10 = arith.constant 0 : i32
    %dma_start3A_11 = tpu.memref_slice %arg6[%dma_start3A_9, %dma_start3A_10] : memref<125952x128xf32, #tpu.memory_space<hbm>> -> memref<125952x128xf32, #tpu.memory_space<hbm>>
    tpu.enqueue_indirect_dma source(%dma_start3A_11 : memref<125952x128xf32, #tpu.memory_space<hbm>>) target(%dma_start3A_5 : memref<128x128xf32, #tpu.memory_space<vmem>>) offsets(%dma_start3A_8 : memref<128xi32, #tpu.memory_space<vmem>>) semaphore(%arg20 : memref<!tpu.dma_semaphore, #tpu.memory_space<semaphore_mem>>)
    %dma_start3A_12 = arith.constant 1 : i32
    %dma_start3A_13 = arith.constant 128 : i32
    %dma_start3A_14 = arith.constant 0 : i32
    %dma_start3A_15 = tpu.memref_slice %arg12[%dma_start3A_13, %dma_start3A_14] : memref<512x128xf32, #tpu.memory_space<vmem>> -> memref<128x128xf32, #tpu.memory_space<vmem>>
    %dma_start3A_16 = arith.constant 0 : i32
    %dma_start3A_17 = tpu.memref_slice %arg11[%dma_start3A_12, %dma_start3A_16] : memref<4x128xi32, #tpu.memory_space<vmem>> -> memref<1x128xi32, #tpu.memory_space<vmem>>
    %dma_start3A_18 = tpu.memref_squeeze %dma_start3A_17 : memref<1x128xi32, #tpu.memory_space<vmem>> -> memref<128xi32, #tpu.memory_space<vmem>>
    %dma_start3A_19 = arith.constant 0 : i32
    %dma_start3A_20 = arith.constant 0 : i32
    %dma_start3A_21 = tpu.memref_slice %arg6[%dma_start3A_19, %dma_start3A_20] : memref<125952x128xf32, #tpu.memory_space<hbm>> -> memref<125952x128xf32, #tpu.memory_space<hbm>>
    tpu.enqueue_indirect_dma source(%dma_start3A_21 : memref<125952x128xf32, #tpu.memory_space<hbm>>) target(%dma_start3A_15 : memref<128x128xf32, #tpu.memory_space<vmem>>) offsets(%dma_start3A_18 : memref<128xi32, #tpu.memory_space<vmem>>) semaphore(%arg20 : memref<!tpu.dma_semaphore, #tpu.memory_space<semaphore_mem>>)
    %dma_start3A_22 = arith.constant 2 : i32
    %dma_start3A_23 = arith.constant 256 : i32
    %dma_start3A_24 = arith.constant 0 : i32
    %dma_start3A_25 = tpu.memref_slice %arg12[%dma_start3A_23, %dma_start3A_24] : memref<512x128xf32, #tpu.memory_space<vmem>> -> memref<128x128xf32, #tpu.memory_space<vmem>>
    %dma_start3A_26 = arith.constant 0 : i32
    %dma_start3A_27 = tpu.memref_slice %arg11[%dma_start3A_22, %dma_start3A_26] : memref<4x128xi32, #tpu.memory_space<vmem>> -> memref<1x128xi32, #tpu.memory_space<vmem>>
    %dma_start3A_28 = tpu.memref_squeeze %dma_start3A_27 : memref<1x128xi32, #tpu.memory_space<vmem>> -> memref<128xi32, #tpu.memory_space<vmem>>
    %dma_start3A_29 = arith.constant 0 : i32
    %dma_start3A_30 = arith.constant 0 : i32
    %dma_start3A_31 = tpu.memref_slice %arg6[%dma_start3A_29, %dma_start3A_30] : memref<125952x128xf32, #tpu.memory_space<hbm>> -> memref<125952x128xf32, #tpu.memory_space<hbm>>
    tpu.enqueue_indirect_dma source(%dma_start3A_31 : memref<125952x128xf32, #tpu.memory_space<hbm>>) target(%dma_start3A_25 : memref<128x128xf32, #tpu.memory_space<vmem>>) offsets(%dma_start3A_28 : memref<128xi32, #tpu.memory_space<vmem>>) semaphore(%arg20 : memref<!tpu.dma_semaphore, #tpu.memory_space<semaphore_mem>>)
    %dma_start3A_32 = arith.constant 3 : i32
    %dma_start3A_33 = arith.constant 384 : i32
    %dma_start3A_34 = arith.constant 0 : i32
    %dma_start3A_35 = tpu.memref_slice %arg12[%dma_start3A_33, %dma_start3A_34] : memref<512x128xf32, #tpu.memory_space<vmem>> -> memref<128x128xf32, #tpu.memory_space<vmem>>
    %dma_start3A_36 = arith.constant 0 : i32
    %dma_start3A_37 = tpu.memref_slice %arg11[%dma_start3A_32, %dma_start3A_36] : memref<4x128xi32, #tpu.memory_space<vmem>> -> memref<1x128xi32, #tpu.memory_space<vmem>>
    %dma_start3A_38 = tpu.memref_squeeze %dma_start3A_37 : memref<1x128xi32, #tpu.memory_space<vmem>> -> memref<128xi32, #tpu.memory_space<vmem>>
    %dma_start3A_39 = arith.constant 0 : i32
    %dma_start3A_40 = arith.constant 0 : i32
    %dma_start3A_41 = tpu.memref_slice %arg6[%dma_start3A_39, %dma_start3A_40] : memref<125952x128xf32, #tpu.memory_space<hbm>> -> memref<125952x128xf32, #tpu.memory_space<hbm>>
    tpu.enqueue_indirect_dma source(%dma_start3A_41 : memref<125952x128xf32, #tpu.memory_space<hbm>>) target(%dma_start3A_35 : memref<128x128xf32, #tpu.memory_space<vmem>>) offsets(%dma_start3A_38 : memref<128xi32, #tpu.memory_space<vmem>>) semaphore(%arg20 : memref<!tpu.dma_semaphore, #tpu.memory_space<semaphore_mem>>)
    "tpu.region"() ({
      %run_scoped3A = tpu.sem_alloc : memref<!tpu.dma_semaphore, #tpu.memory_space<semaphore_mem>>
      %dma_start3A_423 = arith.constant 0 : i32
      %dma_start3A_424 = tpu.memref_slice %arg3[%add3A, %dma_start3A_423] : memref<32x512xi32, #tpu.memory_space<hbm>> -> memref<1x512xi32, #tpu.memory_space<hbm>>
      %dma_start3A_425 = tpu.memref_squeeze %dma_start3A_424 : memref<1x512xi32, #tpu.memory_space<hbm>> -> memref<512xi32, #tpu.memory_space<hbm>>
      %dma_start3A_426 = arith.constant 0 : i32
      %dma_start3A_427 = tpu.memref_slice %arg3[%add3A, %dma_start3A_426] : memref<32x512xi32, #tpu.memory_space<hbm>> -> memref<1x512xi32, #tpu.memory_space<hbm>>
      %dma_start3A_428 = tpu.memref_squeeze %dma_start3A_427 : memref<1x512xi32, #tpu.memory_space<hbm>> -> memref<512xi32, #tpu.memory_space<hbm>>
      tpu.enqueue_dma source(%dma_start3A_428 : memref<512xi32, #tpu.memory_space<hbm>>) target(%arg13 : memref<512xi32, #tpu.memory_space<vmem>>) target_semaphore(%run_scoped3A : memref<!tpu.dma_semaphore, #tpu.memory_space<semaphore_mem>>)
      %dma_wait3A_429 = arith.constant 0 : i32
      %dma_wait3A_430 = tpu.memref_slice %arg3[%add3A, %dma_wait3A_429] : memref<32x512xi32, #tpu.memory_space<hbm>> -> memref<1x512xi32, #tpu.memory_space<hbm>>
      %dma_wait3A_431 = tpu.memref_squeeze %dma_wait3A_430 : memref<1x512xi32, #tpu.memory_space<hbm>> -> memref<512xi32, #tpu.memory_space<hbm>>
      %dma_wait3A_432 = arith.constant 0 : i32
      %dma_wait3A_433 = tpu.memref_slice %arg3[%add3A, %dma_wait3A_432] : memref<32x512xi32, #tpu.memory_space<hbm>> -> memref<1x512xi32, #tpu.memory_space<hbm>>
      %dma_wait3A_434 = tpu.memref_squeeze %dma_wait3A_433 : memref<1x512xi32, #tpu.memory_space<hbm>> -> memref<512xi32, #tpu.memory_space<hbm>>
      tpu.wait_dma2 semaphore(%run_scoped3A : memref<!tpu.dma_semaphore, #tpu.memory_space<semaphore_mem>>) src(%dma_wait3A_434 : memref<512xi32, #tpu.memory_space<hbm>>) dst(%arg13 : memref<512xi32, #tpu.memory_space<vmem>>)
      tpu.yield
    }) : () -> ()
    "tpu.region"() ({
      %run_scoped3A = tpu.sem_alloc : memref<!tpu.dma_semaphore, #tpu.memory_space<semaphore_mem>>
      %dma_start3A_423 = arith.constant 0 : i32
      %dma_start3A_424 = tpu.memref_slice %arg4[%add3A, %dma_start3A_423] : memref<32x512xi32, #tpu.memory_space<hbm>> -> memref<1x512xi32, #tpu.memory_space<hbm>>
      %dma_start3A_425 = tpu.memref_squeeze %dma_start3A_424 : memref<1x512xi32, #tpu.memory_space<hbm>> -> memref<512xi32, #tpu.memory_space<hbm>>
      %dma_start3A_426 = arith.constant 0 : i32
      %dma_start3A_427 = tpu.memref_slice %arg4[%add3A, %dma_start3A_426] : memref<32x512xi32, #tpu.memory_space<hbm>> -> memref<1x512xi32, #tpu.memory_space<hbm>>
      %dma_start3A_428 = tpu.memref_squeeze %dma_start3A_427 : memref<1x512xi32, #tpu.memory_space<hbm>> -> memref<512xi32, #tpu.memory_space<hbm>>
      tpu.enqueue_dma source(%dma_start3A_428 : memref<512xi32, #tpu.memory_space<hbm>>) target(%arg14 : memref<512xi32, #tpu.memory_space<vmem>>) target_semaphore(%run_scoped3A : memref<!tpu.dma_semaphore, #tpu.memory_space<semaphore_mem>>)
      %dma_wait3A_429 = arith.constant 0 : i32
      %dma_wait3A_430 = tpu.memref_slice %arg4[%add3A, %dma_wait3A_429] : memref<32x512xi32, #tpu.memory_space<hbm>> -> memref<1x512xi32, #tpu.memory_space<hbm>>
      %dma_wait3A_431 = tpu.memref_squeeze %dma_wait3A_430 : memref<1x512xi32, #tpu.memory_space<hbm>> -> memref<512xi32, #tpu.memory_space<hbm>>
      %dma_wait3A_432 = arith.constant 0 : i32
      %dma_wait3A_433 = tpu.memref_slice %arg4[%add3A, %dma_wait3A_432] : memref<32x512xi32, #tpu.memory_space<hbm>> -> memref<1x512xi32, #tpu.memory_space<hbm>>
      %dma_wait3A_434 = tpu.memref_squeeze %dma_wait3A_433 : memref<1x512xi32, #tpu.memory_space<hbm>> -> memref<512xi32, #tpu.memory_space<hbm>>
      tpu.wait_dma2 semaphore(%run_scoped3A : memref<!tpu.dma_semaphore, #tpu.memory_space<semaphore_mem>>) src(%dma_wait3A_434 : memref<512xi32, #tpu.memory_space<hbm>>) dst(%arg14 : memref<512xi32, #tpu.memory_space<vmem>>)
      tpu.yield
    }) : () -> ()
    "tpu.region"() ({
      %run_scoped3A = tpu.sem_alloc : memref<!tpu.dma_semaphore, #tpu.memory_space<semaphore_mem>>
      %dma_start3A_423 = arith.constant 0 : i32
      %dma_start3A_424 = tpu.memref_slice %arg5[%add3A, %dma_start3A_423] : memref<32x512xi32, #tpu.memory_space<hbm>> -> memref<1x512xi32, #tpu.memory_space<hbm>>
      %dma_start3A_425 = tpu.memref_squeeze %dma_start3A_424 : memref<1x512xi32, #tpu.memory_space<hbm>> -> memref<512xi32, #tpu.memory_space<hbm>>
      %dma_start3A_426 = arith.constant 0 : i32
      %dma_start3A_427 = tpu.memref_slice %arg5[%add3A, %dma_start3A_426] : memref<32x512xi32, #tpu.memory_space<hbm>> -> memref<1x512xi32, #tpu.memory_space<hbm>>
      %dma_start3A_428 = tpu.memref_squeeze %dma_start3A_427 : memref<1x512xi32, #tpu.memory_space<hbm>> -> memref<512xi32, #tpu.memory_space<hbm>>
      tpu.enqueue_dma source(%dma_start3A_428 : memref<512xi32, #tpu.memory_space<hbm>>) target(%arg15 : memref<512xi32, #tpu.memory_space<vmem>>) target_semaphore(%run_scoped3A : memref<!tpu.dma_semaphore, #tpu.memory_space<semaphore_mem>>)
      %dma_wait3A_429 = arith.constant 0 : i32
      %dma_wait3A_430 = tpu.memref_slice %arg5[%add3A, %dma_wait3A_429] : memref<32x512xi32, #tpu.memory_space<hbm>> -> memref<1x512xi32, #tpu.memory_space<hbm>>
      %dma_wait3A_431 = tpu.memref_squeeze %dma_wait3A_430 : memref<1x512xi32, #tpu.memory_space<hbm>> -> memref<512xi32, #tpu.memory_space<hbm>>
      %dma_wait3A_432 = arith.constant 0 : i32
      %dma_wait3A_433 = tpu.memref_slice %arg5[%add3A, %dma_wait3A_432] : memref<32x512xi32, #tpu.memory_space<hbm>> -> memref<1x512xi32, #tpu.memory_space<hbm>>
      %dma_wait3A_434 = tpu.memref_squeeze %dma_wait3A_433 : memref<1x512xi32, #tpu.memory_space<hbm>> -> memref<512xi32, #tpu.memory_space<hbm>>
      tpu.wait_dma2 semaphore(%run_scoped3A : memref<!tpu.dma_semaphore, #tpu.memory_space<semaphore_mem>>) src(%dma_wait3A_434 : memref<512xi32, #tpu.memory_space<hbm>>) dst(%arg15 : memref<512xi32, #tpu.memory_space<vmem>>)
      tpu.yield
    }) : () -> ()
    "tpu.region"() ({
      %run_scoped3A = tpu.sem_alloc : memref<!tpu.dma_semaphore, #tpu.memory_space<semaphore_mem>>
      tpu.enqueue_dma source(%arg7 : memref<160xf32, #tpu.memory_space<hbm>>) target(%arg16 : memref<160xf32, #tpu.memory_space<vmem>>) target_semaphore(%run_scoped3A : memref<!tpu.dma_semaphore, #tpu.memory_space<semaphore_mem>>)
      tpu.wait_dma2 semaphore(%run_scoped3A : memref<!tpu.dma_semaphore, #tpu.memory_space<semaphore_mem>>) src(%arg7 : memref<160xf32, #tpu.memory_space<hbm>>) dst(%arg16 : memref<160xf32, #tpu.memory_space<vmem>>)
      tpu.yield
    }) : () -> ()
    "tpu.region"() ({
      %run_scoped3A = tpu.sem_alloc : memref<!tpu.dma_semaphore, #tpu.memory_space<semaphore_mem>>
      tpu.enqueue_dma source(%arg8 : memref<100xf32, #tpu.memory_space<hbm>>) target(%arg17 : memref<100xf32, #tpu.memory_space<vmem>>) target_semaphore(%run_scoped3A : memref<!tpu.dma_semaphore, #tpu.memory_space<semaphore_mem>>)
      tpu.wait_dma2 semaphore(%run_scoped3A : memref<!tpu.dma_semaphore, #tpu.memory_space<semaphore_mem>>) src(%arg8 : memref<100xf32, #tpu.memory_space<hbm>>) dst(%arg17 : memref<100xf32, #tpu.memory_space<vmem>>)
      tpu.yield
    }) : () -> ()
    "tpu.region"() ({
      %run_scoped3A = tpu.sem_alloc : memref<!tpu.dma_semaphore, #tpu.memory_space<semaphore_mem>>
      tpu.enqueue_dma source(%arg9 : memref<210xf32, #tpu.memory_space<hbm>>) target(%arg18 : memref<210xf32, #tpu.memory_space<vmem>>) target_semaphore(%run_scoped3A : memref<!tpu.dma_semaphore, #tpu.memory_space<semaphore_mem>>)
      tpu.wait_dma2 semaphore(%run_scoped3A : memref<!tpu.dma_semaphore, #tpu.memory_space<semaphore_mem>>) src(%arg9 : memref<210xf32, #tpu.memory_space<hbm>>) dst(%arg18 : memref<210xf32, #tpu.memory_space<vmem>>)
      tpu.yield
    }) : () -> ()
    %dma_wait3A = arith.constant 0 : i32
    %dma_wait3A_42 = arith.constant 0 : i32
    %dma_wait3A_43 = arith.constant 0 : i32
    %dma_wait3A_44 = tpu.memref_slice %arg12[%dma_wait3A_42, %dma_wait3A_43] : memref<512x128xf32, #tpu.memory_space<vmem>> -> memref<128x128xf32, #tpu.memory_space<vmem>>
    %dma_wait3A_45 = arith.constant 0 : i32
    %dma_wait3A_46 = tpu.memref_slice %arg11[%dma_wait3A, %dma_wait3A_45] : memref<4x128xi32, #tpu.memory_space<vmem>> -> memref<1x128xi32, #tpu.memory_space<vmem>>
    %dma_wait3A_47 = tpu.memref_squeeze %dma_wait3A_46 : memref<1x128xi32, #tpu.memory_space<vmem>> -> memref<128xi32, #tpu.memory_space<vmem>>
    %dma_wait3A_48 = arith.constant 0 : i32
    %dma_wait3A_49 = arith.constant 0 : i32
    %dma_wait3A_50 = tpu.memref_slice %arg6[%dma_wait3A_48, %dma_wait3A_49] : memref<125952x128xf32, #tpu.memory_space<hbm>> -> memref<125952x128xf32, #tpu.memory_space<hbm>>
    tpu.wait_indirect_dma semaphore(%arg20 : memref<!tpu.dma_semaphore, #tpu.memory_space<semaphore_mem>>) src(%dma_wait3A_50 : memref<125952x128xf32, #tpu.memory_space<hbm>>) dst(%dma_wait3A_44 : memref<128x128xf32, #tpu.memory_space<vmem>>)
    %dma_wait3A_51 = arith.constant 1 : i32
    %dma_wait3A_52 = arith.constant 128 : i32
    %dma_wait3A_53 = arith.constant 0 : i32
    %dma_wait3A_54 = tpu.memref_slice %arg12[%dma_wait3A_52, %dma_wait3A_53] : memref<512x128xf32, #tpu.memory_space<vmem>> -> memref<128x128xf32, #tpu.memory_space<vmem>>
    %dma_wait3A_55 = arith.constant 0 : i32
    %dma_wait3A_56 = tpu.memref_slice %arg11[%dma_wait3A_51, %dma_wait3A_55] : memref<4x128xi32, #tpu.memory_space<vmem>> -> memref<1x128xi32, #tpu.memory_space<vmem>>
    %dma_wait3A_57 = tpu.memref_squeeze %dma_wait3A_56 : memref<1x128xi32, #tpu.memory_space<vmem>> -> memref<128xi32, #tpu.memory_space<vmem>>
    %dma_wait3A_58 = arith.constant 0 : i32
    %dma_wait3A_59 = arith.constant 0 : i32
    %dma_wait3A_60 = tpu.memref_slice %arg6[%dma_wait3A_58, %dma_wait3A_59] : memref<125952x128xf32, #tpu.memory_space<hbm>> -> memref<125952x128xf32, #tpu.memory_space<hbm>>
    tpu.wait_indirect_dma semaphore(%arg20 : memref<!tpu.dma_semaphore, #tpu.memory_space<semaphore_mem>>) src(%dma_wait3A_60 : memref<125952x128xf32, #tpu.memory_space<hbm>>) dst(%dma_wait3A_54 : memref<128x128xf32, #tpu.memory_space<vmem>>)
    %dma_wait3A_61 = arith.constant 2 : i32
    %dma_wait3A_62 = arith.constant 256 : i32
    %dma_wait3A_63 = arith.constant 0 : i32
    %dma_wait3A_64 = tpu.memref_slice %arg12[%dma_wait3A_62, %dma_wait3A_63] : memref<512x128xf32, #tpu.memory_space<vmem>> -> memref<128x128xf32, #tpu.memory_space<vmem>>
    %dma_wait3A_65 = arith.constant 0 : i32
    %dma_wait3A_66 = tpu.memref_slice %arg11[%dma_wait3A_61, %dma_wait3A_65] : memref<4x128xi32, #tpu.memory_space<vmem>> -> memref<1x128xi32, #tpu.memory_space<vmem>>
    %dma_wait3A_67 = tpu.memref_squeeze %dma_wait3A_66 : memref<1x128xi32, #tpu.memory_space<vmem>> -> memref<128xi32, #tpu.memory_space<vmem>>
    %dma_wait3A_68 = arith.constant 0 : i32
    %dma_wait3A_69 = arith.constant 0 : i32
    %dma_wait3A_70 = tpu.memref_slice %arg6[%dma_wait3A_68, %dma_wait3A_69] : memref<125952x128xf32, #tpu.memory_space<hbm>> -> memref<125952x128xf32, #tpu.memory_space<hbm>>
    tpu.wait_indirect_dma semaphore(%arg20 : memref<!tpu.dma_semaphore, #tpu.memory_space<semaphore_mem>>) src(%dma_wait3A_70 : memref<125952x128xf32, #tpu.memory_space<hbm>>) dst(%dma_wait3A_64 : memref<128x128xf32, #tpu.memory_space<vmem>>)
    %dma_wait3A_71 = arith.constant 3 : i32
    %dma_wait3A_72 = arith.constant 384 : i32
    %dma_wait3A_73 = arith.constant 0 : i32
    %dma_wait3A_74 = tpu.memref_slice %arg12[%dma_wait3A_72, %dma_wait3A_73] : memref<512x128xf32, #tpu.memory_space<vmem>> -> memref<128x128xf32, #tpu.memory_space<vmem>>
    %dma_wait3A_75 = arith.constant 0 : i32
    %dma_wait3A_76 = tpu.memref_slice %arg11[%dma_wait3A_71, %dma_wait3A_75] : memref<4x128xi32, #tpu.memory_space<vmem>> -> memref<1x128xi32, #tpu.memory_space<vmem>>
    %dma_wait3A_77 = tpu.memref_squeeze %dma_wait3A_76 : memref<1x128xi32, #tpu.memory_space<vmem>> -> memref<128xi32, #tpu.memory_space<vmem>>
    %dma_wait3A_78 = arith.constant 0 : i32
    %dma_wait3A_79 = arith.constant 0 : i32
    %dma_wait3A_80 = tpu.memref_slice %arg6[%dma_wait3A_78, %dma_wait3A_79] : memref<125952x128xf32, #tpu.memory_space<hbm>> -> memref<125952x128xf32, #tpu.memory_space<hbm>>
    tpu.wait_indirect_dma semaphore(%arg20 : memref<!tpu.dma_semaphore, #tpu.memory_space<semaphore_mem>>) src(%dma_wait3A_80 : memref<125952x128xf32, #tpu.memory_space<hbm>>) dst(%dma_wait3A_74 : memref<128x128xf32, #tpu.memory_space<vmem>>)
    %get3A = arith.constant 0 : index
    %get3A_81 = tpu.vector_load %arg16[%get3A] {strides = array<i32>} : memref<160xf32, #tpu.memory_space<vmem>>, vector<16xf32>,
    %get3A_82 = arith.constant 16 : index
    %get3A_83 = tpu.vector_load %arg16[%get3A_82] {strides = array<i32>} : memref<160xf32, #tpu.memory_space<vmem>>, vector<16xf32>,
    %get3A_84 = arith.constant 32 : index
    %get3A_85 = tpu.vector_load %arg16[%get3A_84] {strides = array<i32>} : memref<160xf32, #tpu.memory_space<vmem>>, vector<16xf32>,
    %get3A_86 = arith.constant 48 : index
    %get3A_87 = tpu.vector_load %arg16[%get3A_86] {strides = array<i32>} : memref<160xf32, #tpu.memory_space<vmem>>, vector<16xf32>,
    %get3A_88 = arith.constant 64 : index
    %get3A_89 = tpu.vector_load %arg16[%get3A_88] {strides = array<i32>} : memref<160xf32, #tpu.memory_space<vmem>>, vector<16xf32>,
    %get3A_90 = arith.constant 80 : index
    %get3A_91 = tpu.vector_load %arg16[%get3A_90] {strides = array<i32>} : memref<160xf32, #tpu.memory_space<vmem>>, vector<16xf32>,
    %get3A_92 = arith.constant 96 : index
    %get3A_93 = tpu.vector_load %arg16[%get3A_92] {strides = array<i32>} : memref<160xf32, #tpu.memory_space<vmem>>, vector<16xf32>,
    %get3A_94 = arith.constant 112 : index
    %get3A_95 = tpu.vector_load %arg16[%get3A_94] {strides = array<i32>} : memref<160xf32, #tpu.memory_space<vmem>>, vector<16xf32>,
    %get3A_96 = arith.constant 128 : index
    %get3A_97 = tpu.vector_load %arg16[%get3A_96] {strides = array<i32>} : memref<160xf32, #tpu.memory_space<vmem>>, vector<16xf32>,
    %get3A_98 = arith.constant 144 : index
    %get3A_99 = tpu.vector_load %arg16[%get3A_98] {strides = array<i32>} : memref<160xf32, #tpu.memory_space<vmem>>, vector<16xf32>,
    %slice3A = vector.extract_strided_slice %get3A_81 {offsets = [0], sizes = [1], strides = [1]} : vector<16xf32> to vector<1xf32>
    %squeeze3A = vector.extract %slice3A[0] : f32 from vector<1xf32>
    %slice3A_100 = vector.extract_strided_slice %get3A_81 {offsets = [1], sizes = [1], strides = [1]} : vector<16xf32> to vector<1xf32>
    %squeeze3A_101 = vector.extract %slice3A_100[0] : f32 from vector<1xf32>
    %slice3A_102 = vector.extract_strided_slice %get3A_81 {offsets = [2], sizes = [1], strides = [1]} : vector<16xf32> to vector<1xf32>
    %squeeze3A_103 = vector.extract %slice3A_102[0] : f32 from vector<1xf32>
    %slice3A_104 = vector.extract_strided_slice %get3A_81 {offsets = [3], sizes = [1], strides = [1]} : vector<16xf32> to vector<1xf32>
    %squeeze3A_105 = vector.extract %slice3A_104[0] : f32 from vector<1xf32>
    %slice3A_106 = vector.extract_strided_slice %get3A_81 {offsets = [4], sizes = [1], strides = [1]} : vector<16xf32> to vector<1xf32>
    %squeeze3A_107 = vector.extract %slice3A_106[0] : f32 from vector<1xf32>
    %slice3A_108 = vector.extract_strided_slice %get3A_81 {offsets = [5], sizes = [1], strides = [1]} : vector<16xf32> to vector<1xf32>
    %squeeze3A_109 = vector.extract %slice3A_108[0] : f32 from vector<1xf32>
    %slice3A_110 = vector.extract_strided_slice %get3A_81 {offsets = [6], sizes = [1], strides = [1]} : vector<16xf32> to vector<1xf32>
    %squeeze3A_111 = vector.extract %slice3A_110[0] : f32 from vector<1xf32>
    %slice3A_112 = vector.extract_strided_slice %get3A_81 {offsets = [7], sizes = [1], strides = [1]} : vector<16xf32> to vector<1xf32>
    %squeeze3A_113 = vector.extract %slice3A_112[0] : f32 from vector<1xf32>
    %slice3A_114 = vector.extract_strided_slice %get3A_81 {offsets = [8], sizes = [1], strides = [1]} : vector<16xf32> to vector<1xf32>
    %squeeze3A_115 = vector.extract %slice3A_114[0] : f32 from vector<1xf32>
    %slice3A_116 = vector.extract_strided_slice %get3A_81 {offsets = [9], sizes = [1], strides = [1]} : vector<16xf32> to vector<1xf32>
    %squeeze3A_117 = vector.extract %slice3A_116[0] : f32 from vector<1xf32>
    %slice3A_118 = vector.extract_strided_slice %get3A_81 {offsets = [10], sizes = [1], strides = [1]} : vector<16xf32> to vector<1xf32>
    %squeeze3A_119 = vector.extract %slice3A_118[0] : f32 from vector<1xf32>
    %slice3A_120 = vector.extract_strided_slice %get3A_81 {offsets = [11], sizes = [1], strides = [1]} : vector<16xf32> to vector<1xf32>
    %squeeze3A_121 = vector.extract %slice3A_120[0] : f32 from vector<1xf32>
    %slice3A_122 = vector.extract_strided_slice %get3A_81 {offsets = [12], sizes = [1], strides = [1]} : vector<16xf32> to vector<1xf32>
    %squeeze3A_123 = vector.extract %slice3A_122[0] : f32 from vector<1xf32>
    %slice3A_124 = vector.extract_strided_slice %get3A_81 {offsets = [13], sizes = [1], strides = [1]} : vector<16xf32> to vector<1xf32>
    %squeeze3A_125 = vector.extract %slice3A_124[0] : f32 from vector<1xf32>
    %slice3A_126 = vector.extract_strided_slice %get3A_81 {offsets = [14], sizes = [1], strides = [1]} : vector<16xf32> to vector<1xf32>
    %squeeze3A_127 = vector.extract %slice3A_126[0] : f32 from vector<1xf32>
    %slice3A_128 = vector.extract_strided_slice %get3A_81 {offsets = [15], sizes = [1], strides = [1]} : vector<16xf32> to vector<1xf32>
    %squeeze3A_129 = vector.extract %slice3A_128[0] : f32 from vector<1xf32>
    %slice3A_130 = vector.extract_strided_slice %get3A_83 {offsets = [0], sizes = [1], strides = [1]} : vector<16xf32> to vector<1xf32>
    %squeeze3A_131 = vector.extract %slice3A_130[0] : f32 from vector<1xf32>
    %slice3A_132 = vector.extract_strided_slice %get3A_83 {offsets = [1], sizes = [1], strides = [1]} : vector<16xf32> to vector<1xf32>
    %squeeze3A_133 = vector.extract %slice3A_132[0] : f32 from vector<1xf32>
    %slice3A_134 = vector.extract_strided_slice %get3A_83 {offsets = [2], sizes = [1], strides = [1]} : vector<16xf32> to vector<1xf32>
    %squeeze3A_135 = vector.extract %slice3A_134[0] : f32 from vector<1xf32>
    %slice3A_136 = vector.extract_strided_slice %get3A_83 {offsets = [3], sizes = [1], strides = [1]} : vector<16xf32> to vector<1xf32>
    %squeeze3A_137 = vector.extract %slice3A_136[0] : f32 from vector<1xf32>
    %slice3A_138 = vector.extract_strided_slice %get3A_83 {offsets = [4], sizes = [1], strides = [1]} : vector<16xf32> to vector<1xf32>
    %squeeze3A_139 = vector.extract %slice3A_138[0] : f32 from vector<1xf32>
    %slice3A_140 = vector.extract_strided_slice %get3A_83 {offsets = [5], sizes = [1], strides = [1]} : vector<16xf32> to vector<1xf32>
    %squeeze3A_141 = vector.extract %slice3A_140[0] : f32 from vector<1xf32>
    %slice3A_142 = vector.extract_strided_slice %get3A_83 {offsets = [6], sizes = [1], strides = [1]} : vector<16xf32> to vector<1xf32>
    %squeeze3A_143 = vector.extract %slice3A_142[0] : f32 from vector<1xf32>
    %slice3A_144 = vector.extract_strided_slice %get3A_83 {offsets = [7], sizes = [1], strides = [1]} : vector<16xf32> to vector<1xf32>
    %squeeze3A_145 = vector.extract %slice3A_144[0] : f32 from vector<1xf32>
    %slice3A_146 = vector.extract_strided_slice %get3A_83 {offsets = [8], sizes = [1], strides = [1]} : vector<16xf32> to vector<1xf32>
    %squeeze3A_147 = vector.extract %slice3A_146[0] : f32 from vector<1xf32>
    %slice3A_148 = vector.extract_strided_slice %get3A_83 {offsets = [9], sizes = [1], strides = [1]} : vector<16xf32> to vector<1xf32>
    %squeeze3A_149 = vector.extract %slice3A_148[0] : f32 from vector<1xf32>
    %slice3A_150 = vector.extract_strided_slice %get3A_83 {offsets = [10], sizes = [1], strides = [1]} : vector<16xf32> to vector<1xf32>
    %squeeze3A_151 = vector.extract %slice3A_150[0] : f32 from vector<1xf32>
    %slice3A_152 = vector.extract_strided_slice %get3A_83 {offsets = [11], sizes = [1], strides = [1]} : vector<16xf32> to vector<1xf32>
    %squeeze3A_153 = vector.extract %slice3A_152[0] : f32 from vector<1xf32>
    %slice3A_154 = vector.extract_strided_slice %get3A_83 {offsets = [12], sizes = [1], strides = [1]} : vector<16xf32> to vector<1xf32>
    %squeeze3A_155 = vector.extract %slice3A_154[0] : f32 from vector<1xf32>
    %slice3A_156 = vector.extract_strided_slice %get3A_83 {offsets = [13], sizes = [1], strides = [1]} : vector<16xf32> to vector<1xf32>
    %squeeze3A_157 = vector.extract %slice3A_156[0] : f32 from vector<1xf32>
    %slice3A_158 = vector.extract_strided_slice %get3A_83 {offsets = [14], sizes = [1], strides = [1]} : vector<16xf32> to vector<1xf32>
    %squeeze3A_159 = vector.extract %slice3A_158[0] : f32 from vector<1xf32>
    %slice3A_160 = vector.extract_strided_slice %get3A_83 {offsets = [15], sizes = [1], strides = [1]} : vector<16xf32> to vector<1xf32>
    %squeeze3A_161 = vector.extract %slice3A_160[0] : f32 from vector<1xf32>
    %slice3A_162 = vector.extract_strided_slice %get3A_85 {offsets = [0], sizes = [1], strides = [1]} : vector<16xf32> to vector<1xf32>
    %squeeze3A_163 = vector.extract %slice3A_162[0] : f32 from vector<1xf32>
    %slice3A_164 = vector.extract_strided_slice %get3A_85 {offsets = [1], sizes = [1], strides = [1]} : vector<16xf32> to vector<1xf32>
    %squeeze3A_165 = vector.extract %slice3A_164[0] : f32 from vector<1xf32>
    %slice3A_166 = vector.extract_strided_slice %get3A_85 {offsets = [2], sizes = [1], strides = [1]} : vector<16xf32> to vector<1xf32>
    %squeeze3A_167 = vector.extract %slice3A_166[0] : f32 from vector<1xf32>
    %slice3A_168 = vector.extract_strided_slice %get3A_85 {offsets = [3], sizes = [1], strides = [1]} : vector<16xf32> to vector<1xf32>
    %squeeze3A_169 = vector.extract %slice3A_168[0] : f32 from vector<1xf32>
    %slice3A_170 = vector.extract_strided_slice %get3A_85 {offsets = [4], sizes = [1], strides = [1]} : vector<16xf32> to vector<1xf32>
    %squeeze3A_171 = vector.extract %slice3A_170[0] : f32 from vector<1xf32>
    %slice3A_172 = vector.extract_strided_slice %get3A_85 {offsets = [5], sizes = [1], strides = [1]} : vector<16xf32> to vector<1xf32>
    %squeeze3A_173 = vector.extract %slice3A_172[0] : f32 from vector<1xf32>
    %slice3A_174 = vector.extract_strided_slice %get3A_85 {offsets = [6], sizes = [1], strides = [1]} : vector<16xf32> to vector<1xf32>
    %squeeze3A_175 = vector.extract %slice3A_174[0] : f32 from vector<1xf32>
    %slice3A_176 = vector.extract_strided_slice %get3A_85 {offsets = [7], sizes = [1], strides = [1]} : vector<16xf32> to vector<1xf32>
    %squeeze3A_177 = vector.extract %slice3A_176[0] : f32 from vector<1xf32>
    %slice3A_178 = vector.extract_strided_slice %get3A_85 {offsets = [8], sizes = [1], strides = [1]} : vector<16xf32> to vector<1xf32>
    %squeeze3A_179 = vector.extract %slice3A_178[0] : f32 from vector<1xf32>
    %slice3A_180 = vector.extract_strided_slice %get3A_85 {offsets = [9], sizes = [1], strides = [1]} : vector<16xf32> to vector<1xf32>
    %squeeze3A_181 = vector.extract %slice3A_180[0] : f32 from vector<1xf32>
    %slice3A_182 = vector.extract_strided_slice %get3A_85 {offsets = [10], sizes = [1], strides = [1]} : vector<16xf32> to vector<1xf32>
    %squeeze3A_183 = vector.extract %slice3A_182[0] : f32 from vector<1xf32>
    %slice3A_184 = vector.extract_strided_slice %get3A_85 {offsets = [11], sizes = [1], strides = [1]} : vector<16xf32> to vector<1xf32>
    %squeeze3A_185 = vector.extract %slice3A_184[0] : f32 from vector<1xf32>
    %slice3A_186 = vector.extract_strided_slice %get3A_85 {offsets = [12], sizes = [1], strides = [1]} : vector<16xf32> to vector<1xf32>
    %squeeze3A_187 = vector.extract %slice3A_186[0] : f32 from vector<1xf32>
    %slice3A_188 = vector.extract_strided_slice %get3A_85 {offsets = [13], sizes = [1], strides = [1]} : vector<16xf32> to vector<1xf32>
    %squeeze3A_189 = vector.extract %slice3A_188[0] : f32 from vector<1xf32>
    %slice3A_190 = vector.extract_strided_slice %get3A_85 {offsets = [14], sizes = [1], strides = [1]} : vector<16xf32> to vector<1xf32>
    %squeeze3A_191 = vector.extract %slice3A_190[0] : f32 from vector<1xf32>
    %slice3A_192 = vector.extract_strided_slice %get3A_85 {offsets = [15], sizes = [1], strides = [1]} : vector<16xf32> to vector<1xf32>
    %squeeze3A_193 = vector.extract %slice3A_192[0] : f32 from vector<1xf32>
    %slice3A_194 = vector.extract_strided_slice %get3A_87 {offsets = [0], sizes = [1], strides = [1]} : vector<16xf32> to vector<1xf32>
    %squeeze3A_195 = vector.extract %slice3A_194[0] : f32 from vector<1xf32>
    %slice3A_196 = vector.extract_strided_slice %get3A_87 {offsets = [1], sizes = [1], strides = [1]} : vector<16xf32> to vector<1xf32>
    %squeeze3A_197 = vector.extract %slice3A_196[0] : f32 from vector<1xf32>
    %slice3A_198 = vector.extract_strided_slice %get3A_87 {offsets = [2], sizes = [1], strides = [1]} : vector<16xf32> to vector<1xf32>
    %squeeze3A_199 = vector.extract %slice3A_198[0] : f32 from vector<1xf32>
    %slice3A_200 = vector.extract_strided_slice %get3A_87 {offsets = [3], sizes = [1], strides = [1]} : vector<16xf32> to vector<1xf32>
    %squeeze3A_201 = vector.extract %slice3A_200[0] : f32 from vector<1xf32>
    %slice3A_202 = vector.extract_strided_slice %get3A_87 {offsets = [4], sizes = [1], strides = [1]} : vector<16xf32> to vector<1xf32>
    %squeeze3A_203 = vector.extract %slice3A_202[0] : f32 from vector<1xf32>
    %slice3A_204 = vector.extract_strided_slice %get3A_87 {offsets = [5], sizes = [1], strides = [1]} : vector<16xf32> to vector<1xf32>
    %squeeze3A_205 = vector.extract %slice3A_204[0] : f32 from vector<1xf32>
    %slice3A_206 = vector.extract_strided_slice %get3A_87 {offsets = [6], sizes = [1], strides = [1]} : vector<16xf32> to vector<1xf32>
    %squeeze3A_207 = vector.extract %slice3A_206[0] : f32 from vector<1xf32>
    %slice3A_208 = vector.extract_strided_slice %get3A_87 {offsets = [7], sizes = [1], strides = [1]} : vector<16xf32> to vector<1xf32>
    %squeeze3A_209 = vector.extract %slice3A_208[0] : f32 from vector<1xf32>
    %slice3A_210 = vector.extract_strided_slice %get3A_87 {offsets = [8], sizes = [1], strides = [1]} : vector<16xf32> to vector<1xf32>
    %squeeze3A_211 = vector.extract %slice3A_210[0] : f32 from vector<1xf32>
    %slice3A_212 = vector.extract_strided_slice %get3A_87 {offsets = [9], sizes = [1], strides = [1]} : vector<16xf32> to vector<1xf32>
    %squeeze3A_213 = vector.extract %slice3A_212[0] : f32 from vector<1xf32>
    %slice3A_214 = vector.extract_strided_slice %get3A_87 {offsets = [10], sizes = [1], strides = [1]} : vector<16xf32> to vector<1xf32>
    %squeeze3A_215 = vector.extract %slice3A_214[0] : f32 from vector<1xf32>
    %slice3A_216 = vector.extract_strided_slice %get3A_87 {offsets = [11], sizes = [1], strides = [1]} : vector<16xf32> to vector<1xf32>
    %squeeze3A_217 = vector.extract %slice3A_216[0] : f32 from vector<1xf32>
    %slice3A_218 = vector.extract_strided_slice %get3A_87 {offsets = [12], sizes = [1], strides = [1]} : vector<16xf32> to vector<1xf32>
    %squeeze3A_219 = vector.extract %slice3A_218[0] : f32 from vector<1xf32>
    %slice3A_220 = vector.extract_strided_slice %get3A_87 {offsets = [13], sizes = [1], strides = [1]} : vector<16xf32> to vector<1xf32>
    %squeeze3A_221 = vector.extract %slice3A_220[0] : f32 from vector<1xf32>
    %slice3A_222 = vector.extract_strided_slice %get3A_87 {offsets = [14], sizes = [1], strides = [1]} : vector<16xf32> to vector<1xf32>
    %squeeze3A_223 = vector.extract %slice3A_222[0] : f32 from vector<1xf32>
    %slice3A_224 = vector.extract_strided_slice %get3A_87 {offsets = [15], sizes = [1], strides = [1]} : vector<16xf32> to vector<1xf32>
    %squeeze3A_225 = vector.extract %slice3A_224[0] : f32 from vector<1xf32>
    %slice3A_226 = vector.extract_strided_slice %get3A_89 {offsets = [0], sizes = [1], strides = [1]} : vector<16xf32> to vector<1xf32>
    %squeeze3A_227 = vector.extract %slice3A_226[0] : f32 from vector<1xf32>
    %slice3A_228 = vector.extract_strided_slice %get3A_89 {offsets = [1], sizes = [1], strides = [1]} : vector<16xf32> to vector<1xf32>
    %squeeze3A_229 = vector.extract %slice3A_228[0] : f32 from vector<1xf32>
    %slice3A_230 = vector.extract_strided_slice %get3A_89 {offsets = [2], sizes = [1], strides = [1]} : vector<16xf32> to vector<1xf32>
    %squeeze3A_231 = vector.extract %slice3A_230[0] : f32 from vector<1xf32>
    %slice3A_232 = vector.extract_strided_slice %get3A_89 {offsets = [3], sizes = [1], strides = [1]} : vector<16xf32> to vector<1xf32>
    %squeeze3A_233 = vector.extract %slice3A_232[0] : f32 from vector<1xf32>
    %slice3A_234 = vector.extract_strided_slice %get3A_89 {offsets = [4], sizes = [1], strides = [1]} : vector<16xf32> to vector<1xf32>
    %squeeze3A_235 = vector.extract %slice3A_234[0] : f32 from vector<1xf32>
    %slice3A_236 = vector.extract_strided_slice %get3A_89 {offsets = [5], sizes = [1], strides = [1]} : vector<16xf32> to vector<1xf32>
    %squeeze3A_237 = vector.extract %slice3A_236[0] : f32 from vector<1xf32>
    %slice3A_238 = vector.extract_strided_slice %get3A_89 {offsets = [6], sizes = [1], strides = [1]} : vector<16xf32> to vector<1xf32>
    %squeeze3A_239 = vector.extract %slice3A_238[0] : f32 from vector<1xf32>
    %slice3A_240 = vector.extract_strided_slice %get3A_89 {offsets = [7], sizes = [1], strides = [1]} : vector<16xf32> to vector<1xf32>
    %squeeze3A_241 = vector.extract %slice3A_240[0] : f32 from vector<1xf32>
    %slice3A_242 = vector.extract_strided_slice %get3A_89 {offsets = [8], sizes = [1], strides = [1]} : vector<16xf32> to vector<1xf32>
    %squeeze3A_243 = vector.extract %slice3A_242[0] : f32 from vector<1xf32>
    %slice3A_244 = vector.extract_strided_slice %get3A_89 {offsets = [9], sizes = [1], strides = [1]} : vector<16xf32> to vector<1xf32>
    %squeeze3A_245 = vector.extract %slice3A_244[0] : f32 from vector<1xf32>
    %slice3A_246 = vector.extract_strided_slice %get3A_89 {offsets = [10], sizes = [1], strides = [1]} : vector<16xf32> to vector<1xf32>
    %squeeze3A_247 = vector.extract %slice3A_246[0] : f32 from vector<1xf32>
    %slice3A_248 = vector.extract_strided_slice %get3A_89 {offsets = [11], sizes = [1], strides = [1]} : vector<16xf32> to vector<1xf32>
    %squeeze3A_249 = vector.extract %slice3A_248[0] : f32 from vector<1xf32>
    %slice3A_250 = vector.extract_strided_slice %get3A_89 {offsets = [12], sizes = [1], strides = [1]} : vector<16xf32> to vector<1xf32>
    %squeeze3A_251 = vector.extract %slice3A_250[0] : f32 from vector<1xf32>
    %slice3A_252 = vector.extract_strided_slice %get3A_89 {offsets = [13], sizes = [1], strides = [1]} : vector<16xf32> to vector<1xf32>
    %squeeze3A_253 = vector.extract %slice3A_252[0] : f32 from vector<1xf32>
    %slice3A_254 = vector.extract_strided_slice %get3A_89 {offsets = [14], sizes = [1], strides = [1]} : vector<16xf32> to vector<1xf32>
    %squeeze3A_255 = vector.extract %slice3A_254[0] : f32 from vector<1xf32>
    %slice3A_256 = vector.extract_strided_slice %get3A_89 {offsets = [15], sizes = [1], strides = [1]} : vector<16xf32> to vector<1xf32>
    %squeeze3A_257 = vector.extract %slice3A_256[0] : f32 from vector<1xf32>
    %slice3A_258 = vector.extract_strided_slice %get3A_91 {offsets = [0], sizes = [1], strides = [1]} : vector<16xf32> to vector<1xf32>
    %squeeze3A_259 = vector.extract %slice3A_258[0] : f32 from vector<1xf32>
    %slice3A_260 = vector.extract_strided_slice %get3A_91 {offsets = [1], sizes = [1], strides = [1]} : vector<16xf32> to vector<1xf32>
    %squeeze3A_261 = vector.extract %slice3A_260[0] : f32 from vector<1xf32>
    %slice3A_262 = vector.extract_strided_slice %get3A_91 {offsets = [2], sizes = [1], strides = [1]} : vector<16xf32> to vector<1xf32>
    %squeeze3A_263 = vector.extract %slice3A_262[0] : f32 from vector<1xf32>
    %slice3A_264 = vector.extract_strided_slice %get3A_91 {offsets = [3], sizes = [1], strides = [1]} : vector<16xf32> to vector<1xf32>
    %squeeze3A_265 = vector.extract %slice3A_264[0] : f32 from vector<1xf32>
    %slice3A_266 = vector.extract_strided_slice %get3A_91 {offsets = [4], sizes = [1], strides = [1]} : vector<16xf32> to vector<1xf32>
    %squeeze3A_267 = vector.extract %slice3A_266[0] : f32 from vector<1xf32>
    %slice3A_268 = vector.extract_strided_slice %get3A_91 {offsets = [5], sizes = [1], strides = [1]} : vector<16xf32> to vector<1xf32>
    %squeeze3A_269 = vector.extract %slice3A_268[0] : f32 from vector<1xf32>
    %slice3A_270 = vector.extract_strided_slice %get3A_91 {offsets = [6], sizes = [1], strides = [1]} : vector<16xf32> to vector<1xf32>
    %squeeze3A_271 = vector.extract %slice3A_270[0] : f32 from vector<1xf32>
    %slice3A_272 = vector.extract_strided_slice %get3A_91 {offsets = [7], sizes = [1], strides = [1]} : vector<16xf32> to vector<1xf32>
    %squeeze3A_273 = vector.extract %slice3A_272[0] : f32 from vector<1xf32>
    %slice3A_274 = vector.extract_strided_slice %get3A_91 {offsets = [8], sizes = [1], strides = [1]} : vector<16xf32> to vector<1xf32>
    %squeeze3A_275 = vector.extract %slice3A_274[0] : f32 from vector<1xf32>
    %slice3A_276 = vector.extract_strided_slice %get3A_91 {offsets = [9], sizes = [1], strides = [1]} : vector<16xf32> to vector<1xf32>
    %squeeze3A_277 = vector.extract %slice3A_276[0] : f32 from vector<1xf32>
    %slice3A_278 = vector.extract_strided_slice %get3A_91 {offsets = [10], sizes = [1], strides = [1]} : vector<16xf32> to vector<1xf32>
    %squeeze3A_279 = vector.extract %slice3A_278[0] : f32 from vector<1xf32>
    %slice3A_280 = vector.extract_strided_slice %get3A_91 {offsets = [11], sizes = [1], strides = [1]} : vector<16xf32> to vector<1xf32>
    %squeeze3A_281 = vector.extract %slice3A_280[0] : f32 from vector<1xf32>
    %slice3A_282 = vector.extract_strided_slice %get3A_91 {offsets = [12], sizes = [1], strides = [1]} : vector<16xf32> to vector<1xf32>
    %squeeze3A_283 = vector.extract %slice3A_282[0] : f32 from vector<1xf32>
    %slice3A_284 = vector.extract_strided_slice %get3A_91 {offsets = [13], sizes = [1], strides = [1]} : vector<16xf32> to vector<1xf32>
    %squeeze3A_285 = vector.extract %slice3A_284[0] : f32 from vector<1xf32>
    %slice3A_286 = vector.extract_strided_slice %get3A_91 {offsets = [14], sizes = [1], strides = [1]} : vector<16xf32> to vector<1xf32>
    %squeeze3A_287 = vector.extract %slice3A_286[0] : f32 from vector<1xf32>
    %slice3A_288 = vector.extract_strided_slice %get3A_91 {offsets = [15], sizes = [1], strides = [1]} : vector<16xf32> to vector<1xf32>
    %squeeze3A_289 = vector.extract %slice3A_288[0] : f32 from vector<1xf32>
    %slice3A_290 = vector.extract_strided_slice %get3A_93 {offsets = [0], sizes = [1], strides = [1]} : vector<16xf32> to vector<1xf32>
    %squeeze3A_291 = vector.extract %slice3A_290[0] : f32 from vector<1xf32>
    %slice3A_292 = vector.extract_strided_slice %get3A_93 {offsets = [1], sizes = [1], strides = [1]} : vector<16xf32> to vector<1xf32>
    %squeeze3A_293 = vector.extract %slice3A_292[0] : f32 from vector<1xf32>
    %slice3A_294 = vector.extract_strided_slice %get3A_93 {offsets = [2], sizes = [1], strides = [1]} : vector<16xf32> to vector<1xf32>
    %squeeze3A_295 = vector.extract %slice3A_294[0] : f32 from vector<1xf32>
    %slice3A_296 = vector.extract_strided_slice %get3A_93 {offsets = [3], sizes = [1], strides = [1]} : vector<16xf32> to vector<1xf32>
    %squeeze3A_297 = vector.extract %slice3A_296[0] : f32 from vector<1xf32>
    %slice3A_298 = vector.extract_strided_slice %get3A_93 {offsets = [4], sizes = [1], strides = [1]} : vector<16xf32> to vector<1xf32>
    %squeeze3A_299 = vector.extract %slice3A_298[0] : f32 from vector<1xf32>
    %slice3A_300 = vector.extract_strided_slice %get3A_93 {offsets = [5], sizes = [1], strides = [1]} : vector<16xf32> to vector<1xf32>
    %squeeze3A_301 = vector.extract %slice3A_300[0] : f32 from vector<1xf32>
    %slice3A_302 = vector.extract_strided_slice %get3A_93 {offsets = [6], sizes = [1], strides = [1]} : vector<16xf32> to vector<1xf32>
    %squeeze3A_303 = vector.extract %slice3A_302[0] : f32 from vector<1xf32>
    %slice3A_304 = vector.extract_strided_slice %get3A_93 {offsets = [7], sizes = [1], strides = [1]} : vector<16xf32> to vector<1xf32>
    %squeeze3A_305 = vector.extract %slice3A_304[0] : f32 from vector<1xf32>
    %slice3A_306 = vector.extract_strided_slice %get3A_93 {offsets = [8], sizes = [1], strides = [1]} : vector<16xf32> to vector<1xf32>
    %squeeze3A_307 = vector.extract %slice3A_306[0] : f32 from vector<1xf32>
    %slice3A_308 = vector.extract_strided_slice %get3A_93 {offsets = [9], sizes = [1], strides = [1]} : vector<16xf32> to vector<1xf32>
    %squeeze3A_309 = vector.extract %slice3A_308[0] : f32 from vector<1xf32>
    %slice3A_310 = vector.extract_strided_slice %get3A_93 {offsets = [10], sizes = [1], strides = [1]} : vector<16xf32> to vector<1xf32>
    %squeeze3A_311 = vector.extract %slice3A_310[0] : f32 from vector<1xf32>
    %slice3A_312 = vector.extract_strided_slice %get3A_93 {offsets = [11], sizes = [1], strides = [1]} : vector<16xf32> to vector<1xf32>
    %squeeze3A_313 = vector.extract %slice3A_312[0] : f32 from vector<1xf32>
    %slice3A_314 = vector.extract_strided_slice %get3A_93 {offsets = [12], sizes = [1], strides = [1]} : vector<16xf32> to vector<1xf32>
    %squeeze3A_315 = vector.extract %slice3A_314[0] : f32 from vector<1xf32>
    %slice3A_316 = vector.extract_strided_slice %get3A_93 {offsets = [13], sizes = [1], strides = [1]} : vector<16xf32> to vector<1xf32>
    %squeeze3A_317 = vector.extract %slice3A_316[0] : f32 from vector<1xf32>
    %slice3A_318 = vector.extract_strided_slice %get3A_93 {offsets = [14], sizes = [1], strides = [1]} : vector<16xf32> to vector<1xf32>
    %squeeze3A_319 = vector.extract %slice3A_318[0] : f32 from vector<1xf32>
    %slice3A_320 = vector.extract_strided_slice %get3A_93 {offsets = [15], sizes = [1], strides = [1]} : vector<16xf32> to vector<1xf32>
    %squeeze3A_321 = vector.extract %slice3A_320[0] : f32 from vector<1xf32>
    %slice3A_322 = vector.extract_strided_slice %get3A_95 {offsets = [0], sizes = [1], strides = [1]} : vector<16xf32> to vector<1xf32>
    %squeeze3A_323 = vector.extract %slice3A_322[0] : f32 from vector<1xf32>
    %slice3A_324 = vector.extract_strided_slice %get3A_95 {offsets = [1], sizes = [1], strides = [1]} : vector<16xf32> to vector<1xf32>
    %squeeze3A_325 = vector.extract %slice3A_324[0] : f32 from vector<1xf32>
    %slice3A_326 = vector.extract_strided_slice %get3A_95 {offsets = [2], sizes = [1], strides = [1]} : vector<16xf32> to vector<1xf32>
    %squeeze3A_327 = vector.extract %slice3A_326[0] : f32 from vector<1xf32>
    %slice3A_328 = vector.extract_strided_slice %get3A_95 {offsets = [3], sizes = [1], strides = [1]} : vector<16xf32> to vector<1xf32>
    %squeeze3A_329 = vector.extract %slice3A_328[0] : f32 from vector<1xf32>
    %slice3A_330 = vector.extract_strided_slice %get3A_95 {offsets = [4], sizes = [1], strides = [1]} : vector<16xf32> to vector<1xf32>
    %squeeze3A_331 = vector.extract %slice3A_330[0] : f32 from vector<1xf32>
    %slice3A_332 = vector.extract_strided_slice %get3A_95 {offsets = [5], sizes = [1], strides = [1]} : vector<16xf32> to vector<1xf32>
    %squeeze3A_333 = vector.extract %slice3A_332[0] : f32 from vector<1xf32>
    %slice3A_334 = vector.extract_strided_slice %get3A_95 {offsets = [6], sizes = [1], strides = [1]} : vector<16xf32> to vector<1xf32>
    %squeeze3A_335 = vector.extract %slice3A_334[0] : f32 from vector<1xf32>
    %slice3A_336 = vector.extract_strided_slice %get3A_95 {offsets = [7], sizes = [1], strides = [1]} : vector<16xf32> to vector<1xf32>
    %squeeze3A_337 = vector.extract %slice3A_336[0] : f32 from vector<1xf32>
    %slice3A_338 = vector.extract_strided_slice %get3A_95 {offsets = [8], sizes = [1], strides = [1]} : vector<16xf32> to vector<1xf32>
    %squeeze3A_339 = vector.extract %slice3A_338[0] : f32 from vector<1xf32>
    %slice3A_340 = vector.extract_strided_slice %get3A_95 {offsets = [9], sizes = [1], strides = [1]} : vector<16xf32> to vector<1xf32>
    %squeeze3A_341 = vector.extract %slice3A_340[0] : f32 from vector<1xf32>
    %slice3A_342 = vector.extract_strided_slice %get3A_95 {offsets = [10], sizes = [1], strides = [1]} : vector<16xf32> to vector<1xf32>
    %squeeze3A_343 = vector.extract %slice3A_342[0] : f32 from vector<1xf32>
    %slice3A_344 = vector.extract_strided_slice %get3A_95 {offsets = [11], sizes = [1], strides = [1]} : vector<16xf32> to vector<1xf32>
    %squeeze3A_345 = vector.extract %slice3A_344[0] : f32 from vector<1xf32>
    %slice3A_346 = vector.extract_strided_slice %get3A_95 {offsets = [12], sizes = [1], strides = [1]} : vector<16xf32> to vector<1xf32>
    %squeeze3A_347 = vector.extract %slice3A_346[0] : f32 from vector<1xf32>
    %slice3A_348 = vector.extract_strided_slice %get3A_95 {offsets = [13], sizes = [1], strides = [1]} : vector<16xf32> to vector<1xf32>
    %squeeze3A_349 = vector.extract %slice3A_348[0] : f32 from vector<1xf32>
    %slice3A_350 = vector.extract_strided_slice %get3A_95 {offsets = [14], sizes = [1], strides = [1]} : vector<16xf32> to vector<1xf32>
    %squeeze3A_351 = vector.extract %slice3A_350[0] : f32 from vector<1xf32>
    %slice3A_352 = vector.extract_strided_slice %get3A_95 {offsets = [15], sizes = [1], strides = [1]} : vector<16xf32> to vector<1xf32>
    %squeeze3A_353 = vector.extract %slice3A_352[0] : f32 from vector<1xf32>
    %slice3A_354 = vector.extract_strided_slice %get3A_97 {offsets = [0], sizes = [1], strides = [1]} : vector<16xf32> to vector<1xf32>
    %squeeze3A_355 = vector.extract %slice3A_354[0] : f32 from vector<1xf32>
    %slice3A_356 = vector.extract_strided_slice %get3A_97 {offsets = [1], sizes = [1], strides = [1]} : vector<16xf32> to vector<1xf32>
    %squeeze3A_357 = vector.extract %slice3A_356[0] : f32 from vector<1xf32>
    %slice3A_358 = vector.extract_strided_slice %get3A_97 {offsets = [2], sizes = [1], strides = [1]} : vector<16xf32> to vector<1xf32>
    %squeeze3A_359 = vector.extract %slice3A_358[0] : f32 from vector<1xf32>
    %slice3A_360 = vector.extract_strided_slice %get3A_97 {offsets = [3], sizes = [1], strides = [1]} : vector<16xf32> to vector<1xf32>
    %squeeze3A_361 = vector.extract %slice3A_360[0] : f32 from vector<1xf32>
    %slice3A_362 = vector.extract_strided_slice %get3A_97 {offsets = [4], sizes = [1], strides = [1]} : vector<16xf32> to vector<1xf32>
    %squeeze3A_363 = vector.extract %slice3A_362[0] : f32 from vector<1xf32>
    %slice3A_364 = vector.extract_strided_slice %get3A_97 {offsets = [5], sizes = [1], strides = [1]} : vector<16xf32> to vector<1xf32>
    %squeeze3A_365 = vector.extract %slice3A_364[0] : f32 from vector<1xf32>
    %slice3A_366 = vector.extract_strided_slice %get3A_97 {offsets = [6], sizes = [1], strides = [1]} : vector<16xf32> to vector<1xf32>
    %squeeze3A_367 = vector.extract %slice3A_366[0] : f32 from vector<1xf32>
    %slice3A_368 = vector.extract_strided_slice %get3A_97 {offsets = [7], sizes = [1], strides = [1]} : vector<16xf32> to vector<1xf32>
    %squeeze3A_369 = vector.extract %slice3A_368[0] : f32 from vector<1xf32>
    %slice3A_370 = vector.extract_strided_slice %get3A_97 {offsets = [8], sizes = [1], strides = [1]} : vector<16xf32> to vector<1xf32>
    %squeeze3A_371 = vector.extract %slice3A_370[0] : f32 from vector<1xf32>
    %slice3A_372 = vector.extract_strided_slice %get3A_97 {offsets = [9], sizes = [1], strides = [1]} : vector<16xf32> to vector<1xf32>
    %squeeze3A_373 = vector.extract %slice3A_372[0] : f32 from vector<1xf32>
    %slice3A_374 = vector.extract_strided_slice %get3A_97 {offsets = [10], sizes = [1], strides = [1]} : vector<16xf32> to vector<1xf32>
    %squeeze3A_375 = vector.extract %slice3A_374[0] : f32 from vector<1xf32>
    %slice3A_376 = vector.extract_strided_slice %get3A_97 {offsets = [11], sizes = [1], strides = [1]} : vector<16xf32> to vector<1xf32>
    %squeeze3A_377 = vector.extract %slice3A_376[0] : f32 from vector<1xf32>
    %slice3A_378 = vector.extract_strided_slice %get3A_97 {offsets = [12], sizes = [1], strides = [1]} : vector<16xf32> to vector<1xf32>
    %squeeze3A_379 = vector.extract %slice3A_378[0] : f32 from vector<1xf32>
    %slice3A_380 = vector.extract_strided_slice %get3A_97 {offsets = [13], sizes = [1], strides = [1]} : vector<16xf32> to vector<1xf32>
    %squeeze3A_381 = vector.extract %slice3A_380[0] : f32 from vector<1xf32>
    %slice3A_382 = vector.extract_strided_slice %get3A_97 {offsets = [14], sizes = [1], strides = [1]} : vector<16xf32> to vector<1xf32>
    %squeeze3A_383 = vector.extract %slice3A_382[0] : f32 from vector<1xf32>
    %slice3A_384 = vector.extract_strided_slice %get3A_97 {offsets = [15], sizes = [1], strides = [1]} : vector<16xf32> to vector<1xf32>
    %squeeze3A_385 = vector.extract %slice3A_384[0] : f32 from vector<1xf32>
    %slice3A_386 = vector.extract_strided_slice %get3A_99 {offsets = [0], sizes = [1], strides = [1]} : vector<16xf32> to vector<1xf32>
    %squeeze3A_387 = vector.extract %slice3A_386[0] : f32 from vector<1xf32>
    %slice3A_388 = vector.extract_strided_slice %get3A_99 {offsets = [1], sizes = [1], strides = [1]} : vector<16xf32> to vector<1xf32>
    %squeeze3A_389 = vector.extract %slice3A_388[0] : f32 from vector<1xf32>
    %slice3A_390 = vector.extract_strided_slice %get3A_99 {offsets = [2], sizes = [1], strides = [1]} : vector<16xf32> to vector<1xf32>
    %squeeze3A_391 = vector.extract %slice3A_390[0] : f32 from vector<1xf32>
    %slice3A_392 = vector.extract_strided_slice %get3A_99 {offsets = [3], sizes = [1], strides = [1]} : vector<16xf32> to vector<1xf32>
    %squeeze3A_393 = vector.extract %slice3A_392[0] : f32 from vector<1xf32>
    %slice3A_394 = vector.extract_strided_slice %get3A_99 {offsets = [4], sizes = [1], strides = [1]} : vector<16xf32> to vector<1xf32>
    %squeeze3A_395 = vector.extract %slice3A_394[0] : f32 from vector<1xf32>
    %slice3A_396 = vector.extract_strided_slice %get3A_99 {offsets = [5], sizes = [1], strides = [1]} : vector<16xf32> to vector<1xf32>
    %squeeze3A_397 = vector.extract %slice3A_396[0] : f32 from vector<1xf32>
    %slice3A_398 = vector.extract_strided_slice %get3A_99 {offsets = [6], sizes = [1], strides = [1]} : vector<16xf32> to vector<1xf32>
    %squeeze3A_399 = vector.extract %slice3A_398[0] : f32 from vector<1xf32>
    %slice3A_400 = vector.extract_strided_slice %get3A_99 {offsets = [7], sizes = [1], strides = [1]} : vector<16xf32> to vector<1xf32>
    %squeeze3A_401 = vector.extract %slice3A_400[0] : f32 from vector<1xf32>
    %slice3A_402 = vector.extract_strided_slice %get3A_99 {offsets = [8], sizes = [1], strides = [1]} : vector<16xf32> to vector<1xf32>
    %squeeze3A_403 = vector.extract %slice3A_402[0] : f32 from vector<1xf32>
    %slice3A_404 = vector.extract_strided_slice %get3A_99 {offsets = [9], sizes = [1], strides = [1]} : vector<16xf32> to vector<1xf32>
    %squeeze3A_405 = vector.extract %slice3A_404[0] : f32 from vector<1xf32>
    %slice3A_406 = vector.extract_strided_slice %get3A_99 {offsets = [10], sizes = [1], strides = [1]} : vector<16xf32> to vector<1xf32>
    %squeeze3A_407 = vector.extract %slice3A_406[0] : f32 from vector<1xf32>
    %slice3A_408 = vector.extract_strided_slice %get3A_99 {offsets = [11], sizes = [1], strides = [1]} : vector<16xf32> to vector<1xf32>
    %squeeze3A_409 = vector.extract %slice3A_408[0] : f32 from vector<1xf32>
    %slice3A_410 = vector.extract_strided_slice %get3A_99 {offsets = [12], sizes = [1], strides = [1]} : vector<16xf32> to vector<1xf32>
    %squeeze3A_411 = vector.extract %slice3A_410[0] : f32 from vector<1xf32>
    %slice3A_412 = vector.extract_strided_slice %get3A_99 {offsets = [13], sizes = [1], strides = [1]} : vector<16xf32> to vector<1xf32>
    %squeeze3A_413 = vector.extract %slice3A_412[0] : f32 from vector<1xf32>
    %slice3A_414 = vector.extract_strided_slice %get3A_99 {offsets = [14], sizes = [1], strides = [1]} : vector<16xf32> to vector<1xf32>
    %squeeze3A_415 = vector.extract %slice3A_414[0] : f32 from vector<1xf32>
    %slice3A_416 = vector.extract_strided_slice %get3A_99 {offsets = [15], sizes = [1], strides = [1]} : vector<16xf32> to vector<1xf32>
    %squeeze3A_417 = vector.extract %slice3A_416[0] : f32 from vector<1xf32>
    %scan3A = arith.constant 0 : i32
    %scan3A_418 = arith.constant 0 : i32
    %scan3A_419 = arith.constant 32 : i32
    %scan3A_420 = arith.addi %scan3A_418, %scan3A_419 : i32
    %scan3A_421 = arith.constant 1 : i32
    scf.for %scan3A_423 = %scan3A_418 to %scan3A_420 step %scan3A_421  : i32 {
      %mul3A_424 = arith.constant 16 : i32
      %mul3A_425 = arith.muli %scan3A_423, %mul3A_424 : i32
      %iota3A = tpu.iota {dimensions = array<i32: 0>} : vector<16xi32>
      %add3A_426 = vector.broadcast %mul3A_425 : i32 to vector<16xi32>
      %add3A_427 = arith.addi %add3A_426, %iota3A : vector<16xi32>
      %mul3A_428 = arith.constant 16 : i32
      %mul3A_429 = arith.muli %scan3A_423, %mul3A_428 : i32
      %get3A_430 = arith.index_cast %mul3A_429 : i32 to index
      %get3A_431 = tpu.vector_load %arg13[%get3A_430] {strides = array<i32>} : memref<512xi32, #tpu.memory_space<vmem>>, vector<16xi32>,
      %mul3A_432 = arith.constant 16 : i32
      %mul3A_433 = arith.muli %scan3A_423, %mul3A_432 : i32
      %get3A_434 = arith.index_cast %mul3A_433 : i32 to index
      %get3A_435 = tpu.vector_load %arg14[%get3A_434] {strides = array<i32>} : memref<512xi32, #tpu.memory_space<vmem>>, vector<16xi32>,
      %mul3A_436 = arith.constant 10 : i32
      %mul3A_437 = vector.broadcast %mul3A_436 : i32 to vector<16xi32>
      %mul3A_438 = arith.muli %get3A_435, %mul3A_437 : vector<16xi32>
      %mul3A_439 = arith.constant 16 : i32
      %mul3A_440 = arith.muli %scan3A_423, %mul3A_439 : i32
      %get3A_441 = arith.index_cast %mul3A_440 : i32 to index
      %get3A_442 = tpu.vector_load %arg15[%get3A_441] {strides = array<i32>} : memref<512xi32, #tpu.memory_space<vmem>>, vector<16xi32>,
      %mul3A_443 = arith.constant 10 : i32
      %mul3A_444 = vector.broadcast %mul3A_443 : i32 to vector<16xi32>
      %mul3A_445 = arith.muli %get3A_442, %mul3A_444 : vector<16xi32>
      %add3A_446 = arith.constant 0 : i32
      %add3A_447 = vector.broadcast %add3A_446 : i32 to vector<16xi32>
      %add3A_448 = arith.addi %get3A_431, %add3A_447 : vector<16xi32>
      %gather3A = tpu.vector_load_idx %arg12[%add3A_427, %add3A_448] : memref<512x128xf32, #tpu.memory_space<vmem>>[vector<16xi32>, vector<16xi32>], vector<16xf32>,
      %max3A = arith.constant 0.000000e+00 : f32
      %max3A_449 = vector.broadcast %max3A : f32 to vector<16xf32>
      %max3A_450 = arith.maximumf %gather3A, %max3A_449 : vector<16xf32>
      %add3A_451 = arith.constant 1 : i32
      %add3A_452 = vector.broadcast %add3A_451 : i32 to vector<16xi32>
      %add3A_453 = arith.addi %get3A_431, %add3A_452 : vector<16xi32>
      %gather3A_454 = tpu.vector_load_idx %arg12[%add3A_427, %add3A_453] : memref<512x128xf32, #tpu.memory_space<vmem>>[vector<16xi32>, vector<16xi32>], vector<16xf32>,
      %max3A_455 = arith.constant 0.000000e+00 : f32
      %max3A_456 = vector.broadcast %max3A_455 : f32 to vector<16xf32>
      %max3A_457 = arith.maximumf %gather3A_454, %max3A_456 : vector<16xf32>
      %add3A_458 = arith.constant 2 : i32
      %add3A_459 = vector.broadcast %add3A_458 : i32 to vector<16xi32>
      %add3A_460 = arith.addi %get3A_431, %add3A_459 : vector<16xi32>
      %gather3A_461 = tpu.vector_load_idx %arg12[%add3A_427, %add3A_460] : memref<512x128xf32, #tpu.memory_space<vmem>>[vector<16xi32>, vector<16xi32>], vector<16xf32>,
      %max3A_462 = arith.constant 0.000000e+00 : f32
      %max3A_463 = vector.broadcast %max3A_462 : f32 to vector<16xf32>
      %max3A_464 = arith.maximumf %gather3A_461, %max3A_463 : vector<16xf32>
      %add3A_465 = arith.constant 3 : i32
      %add3A_466 = vector.broadcast %add3A_465 : i32 to vector<16xi32>
      %add3A_467 = arith.addi %get3A_431, %add3A_466 : vector<16xi32>
      %gather3A_468 = tpu.vector_load_idx %arg12[%add3A_427, %add3A_467] : memref<512x128xf32, #tpu.memory_space<vmem>>[vector<16xi32>, vector<16xi32>], vector<16xf32>,
      %max3A_469 = arith.constant 0.000000e+00 : f32
      %max3A_470 = vector.broadcast %max3A_469 : f32 to vector<16xf32>
      %max3A_471 = arith.maximumf %gather3A_468, %max3A_470 : vector<16xf32>
      %add3A_472 = arith.constant 4 : i32
      %add3A_473 = vector.broadcast %add3A_472 : i32 to vector<16xi32>
      %add3A_474 = arith.addi %get3A_431, %add3A_473 : vector<16xi32>
      %gather3A_475 = tpu.vector_load_idx %arg12[%add3A_427, %add3A_474] : memref<512x128xf32, #tpu.memory_space<vmem>>[vector<16xi32>, vector<16xi32>], vector<16xf32>,
      %max3A_476 = arith.constant 0.000000e+00 : f32
      %max3A_477 = vector.broadcast %max3A_476 : f32 to vector<16xf32>
      %max3A_478 = arith.maximumf %gather3A_475, %max3A_477 : vector<16xf32>
      %add3A_479 = arith.constant 5 : i32
      %add3A_480 = vector.broadcast %add3A_479 : i32 to vector<16xi32>
      %add3A_481 = arith.addi %get3A_431, %add3A_480 : vector<16xi32>
      %gather3A_482 = tpu.vector_load_idx %arg12[%add3A_427, %add3A_481] : memref<512x128xf32, #tpu.memory_space<vmem>>[vector<16xi32>, vector<16xi32>], vector<16xf32>,
      %max3A_483 = arith.constant 0.000000e+00 : f32
      %max3A_484 = vector.broadcast %max3A_483 : f32 to vector<16xf32>
      %max3A_485 = arith.maximumf %gather3A_482, %max3A_484 : vector<16xf32>
      %add3A_486 = arith.constant 6 : i32
      %add3A_487 = vector.broadcast %add3A_486 : i32 to vector<16xi32>
      %add3A_488 = arith.addi %get3A_431, %add3A_487 : vector<16xi32>
      %gather3A_489 = tpu.vector_load_idx %arg12[%add3A_427, %add3A_488] : memref<512x128xf32, #tpu.memory_space<vmem>>[vector<16xi32>, vector<16xi32>], vector<16xf32>,
      %max3A_490 = arith.constant 0.000000e+00 : f32
      %max3A_491 = vector.broadcast %max3A_490 : f32 to vector<16xf32>
      %max3A_492 = arith.maximumf %gather3A_489, %max3A_491 : vector<16xf32>
      %add3A_493 = arith.constant 7 : i32
      %add3A_494 = vector.broadcast %add3A_493 : i32 to vector<16xi32>
      %add3A_495 = arith.addi %get3A_431, %add3A_494 : vector<16xi32>
      %gather3A_496 = tpu.vector_load_idx %arg12[%add3A_427, %add3A_495] : memref<512x128xf32, #tpu.memory_space<vmem>>[vector<16xi32>, vector<16xi32>], vector<16xf32>,
      %max3A_497 = arith.constant 0.000000e+00 : f32
      %max3A_498 = vector.broadcast %max3A_497 : f32 to vector<16xf32>
      %max3A_499 = arith.maximumf %gather3A_496, %max3A_498 : vector<16xf32>
      %add3A_500 = arith.constant 8 : i32
      %add3A_501 = vector.broadcast %add3A_500 : i32 to vector<16xi32>
      %add3A_502 = arith.addi %get3A_431, %add3A_501 : vector<16xi32>
      %gather3A_503 = tpu.vector_load_idx %arg12[%add3A_427, %add3A_502] : memref<512x128xf32, #tpu.memory_space<vmem>>[vector<16xi32>, vector<16xi32>], vector<16xf32>,
      %max3A_504 = arith.constant 0.000000e+00 : f32
      %max3A_505 = vector.broadcast %max3A_504 : f32 to vector<16xf32>
      %max3A_506 = arith.maximumf %gather3A_503, %max3A_505 : vector<16xf32>
      %add3A_507 = arith.constant 9 : i32
      %add3A_508 = vector.broadcast %add3A_507 : i32 to vector<16xi32>
      %add3A_509 = arith.addi %get3A_431, %add3A_508 : vector<16xi32>
      %gather3A_510 = tpu.vector_load_idx %arg12[%add3A_427, %add3A_509] : memref<512x128xf32, #tpu.memory_space<vmem>>[vector<16xi32>, vector<16xi32>], vector<16xf32>,
      %max3A_511 = arith.constant 0.000000e+00 : f32
      %max3A_512 = vector.broadcast %max3A_511 : f32 to vector<16xf32>
      %max3A_513 = arith.maximumf %gather3A_510, %max3A_512 : vector<16xf32>
      %add3A_514 = arith.constant 10 : i32
      %add3A_515 = vector.broadcast %add3A_514 : i32 to vector<16xi32>
      %add3A_516 = arith.addi %get3A_431, %add3A_515 : vector<16xi32>
      %gather3A_517 = tpu.vector_load_idx %arg12[%add3A_427, %add3A_516] : memref<512x128xf32, #tpu.memory_space<vmem>>[vector<16xi32>, vector<16xi32>], vector<16xf32>,
      %max3A_518 = arith.constant 0.000000e+00 : f32
      %max3A_519 = vector.broadcast %max3A_518 : f32 to vector<16xf32>
      %max3A_520 = arith.maximumf %gather3A_517, %max3A_519 : vector<16xf32>
      %add3A_521 = arith.constant 11 : i32
      %add3A_522 = vector.broadcast %add3A_521 : i32 to vector<16xi32>
      %add3A_523 = arith.addi %get3A_431, %add3A_522 : vector<16xi32>
      %gather3A_524 = tpu.vector_load_idx %arg12[%add3A_427, %add3A_523] : memref<512x128xf32, #tpu.memory_space<vmem>>[vector<16xi32>, vector<16xi32>], vector<16xf32>,
      %max3A_525 = arith.constant 0.000000e+00 : f32
      %max3A_526 = vector.broadcast %max3A_525 : f32 to vector<16xf32>
      %max3A_527 = arith.maximumf %gather3A_524, %max3A_526 : vector<16xf32>
      %add3A_528 = arith.constant 12 : i32
      %add3A_529 = vector.broadcast %add3A_528 : i32 to vector<16xi32>
      %add3A_530 = arith.addi %get3A_431, %add3A_529 : vector<16xi32>
      %gather3A_531 = tpu.vector_load_idx %arg12[%add3A_427, %add3A_530] : memref<512x128xf32, #tpu.memory_space<vmem>>[vector<16xi32>, vector<16xi32>], vector<16xf32>,
      %max3A_532 = arith.constant 0.000000e+00 : f32
      %max3A_533 = vector.broadcast %max3A_532 : f32 to vector<16xf32>
      %max3A_534 = arith.maximumf %gather3A_531, %max3A_533 : vector<16xf32>
      %add3A_535 = arith.constant 13 : i32
      %add3A_536 = vector.broadcast %add3A_535 : i32 to vector<16xi32>
      %add3A_537 = arith.addi %get3A_431, %add3A_536 : vector<16xi32>
      %gather3A_538 = tpu.vector_load_idx %arg12[%add3A_427, %add3A_537] : memref<512x128xf32, #tpu.memory_space<vmem>>[vector<16xi32>, vector<16xi32>], vector<16xf32>,
      %max3A_539 = arith.constant 0.000000e+00 : f32
      %max3A_540 = vector.broadcast %max3A_539 : f32 to vector<16xf32>
      %max3A_541 = arith.maximumf %gather3A_538, %max3A_540 : vector<16xf32>
      %add3A_542 = arith.constant 14 : i32
      %add3A_543 = vector.broadcast %add3A_542 : i32 to vector<16xi32>
      %add3A_544 = arith.addi %get3A_431, %add3A_543 : vector<16xi32>
      %gather3A_545 = tpu.vector_load_idx %arg12[%add3A_427, %add3A_544] : memref<512x128xf32, #tpu.memory_space<vmem>>[vector<16xi32>, vector<16xi32>], vector<16xf32>,
      %max3A_546 = arith.constant 0.000000e+00 : f32
      %max3A_547 = vector.broadcast %max3A_546 : f32 to vector<16xf32>
      %max3A_548 = arith.maximumf %gather3A_545, %max3A_547 : vector<16xf32>
      %add3A_549 = arith.constant 15 : i32
      %add3A_550 = vector.broadcast %add3A_549 : i32 to vector<16xi32>
      %add3A_551 = arith.addi %get3A_431, %add3A_550 : vector<16xi32>
      %gather3A_552 = tpu.vector_load_idx %arg12[%add3A_427, %add3A_551] : memref<512x128xf32, #tpu.memory_space<vmem>>[vector<16xi32>, vector<16xi32>], vector<16xf32>,
      %max3A_553 = arith.constant 0.000000e+00 : f32
      %max3A_554 = vector.broadcast %max3A_553 : f32 to vector<16xf32>
      %max3A_555 = arith.maximumf %gather3A_552, %max3A_554 : vector<16xf32>
      %add3A_556 = arith.constant 0 : i32
      %add3A_557 = vector.broadcast %add3A_556 : i32 to vector<16xi32>
      %add3A_558 = arith.addi %mul3A_438, %add3A_557 : vector<16xi32>
      %gather3A_559 = tpu.vector_load_idx %arg17[%add3A_558] : memref<100xf32, #tpu.memory_space<vmem>>[vector<16xi32>], vector<16xf32>,
      %add3A_560 = arith.constant 0 : i32
      %add3A_561 = vector.broadcast %add3A_560 : i32 to vector<16xi32>
      %add3A_562 = arith.addi %mul3A_445, %add3A_561 : vector<16xi32>
      %gather3A_563 = tpu.vector_load_idx %arg18[%add3A_562] : memref<210xf32, #tpu.memory_space<vmem>>[vector<16xi32>], vector<16xf32>,
      %add3A_564 = arith.addf %gather3A_559, %gather3A_563 : vector<16xf32>
      %mul3A_565 = vector.broadcast %squeeze3A : f32 to vector<16xf32>
      %mul3A_566 = arith.mulf %max3A_450, %mul3A_565 : vector<16xf32>
      %add3A_567 = arith.addf %add3A_564, %mul3A_566 : vector<16xf32>
      %mul3A_568 = vector.broadcast %squeeze3A_101 : f32 to vector<16xf32>
      %mul3A_569 = arith.mulf %max3A_457, %mul3A_568 : vector<16xf32>
      %add3A_570 = arith.addf %add3A_567, %mul3A_569 : vector<16xf32>
      %mul3A_571 = vector.broadcast %squeeze3A_103 : f32 to vector<16xf32>
      %mul3A_572 = arith.mulf %max3A_464, %mul3A_571 : vector<16xf32>
      %add3A_573 = arith.addf %add3A_570, %mul3A_572 : vector<16xf32>
      %mul3A_574 = vector.broadcast %squeeze3A_105 : f32 to vector<16xf32>
      %mul3A_575 = arith.mulf %max3A_471, %mul3A_574 : vector<16xf32>
      %add3A_576 = arith.addf %add3A_573, %mul3A_575 : vector<16xf32>
      %mul3A_577 = vector.broadcast %squeeze3A_107 : f32 to vector<16xf32>
      %mul3A_578 = arith.mulf %max3A_478, %mul3A_577 : vector<16xf32>
      %add3A_579 = arith.addf %add3A_576, %mul3A_578 : vector<16xf32>
      %mul3A_580 = vector.broadcast %squeeze3A_109 : f32 to vector<16xf32>
      %mul3A_581 = arith.mulf %max3A_485, %mul3A_580 : vector<16xf32>
      %add3A_582 = arith.addf %add3A_579, %mul3A_581 : vector<16xf32>
      %mul3A_583 = vector.broadcast %squeeze3A_111 : f32 to vector<16xf32>
      %mul3A_584 = arith.mulf %max3A_492, %mul3A_583 : vector<16xf32>
      %add3A_585 = arith.addf %add3A_582, %mul3A_584 : vector<16xf32>
      %mul3A_586 = vector.broadcast %squeeze3A_113 : f32 to vector<16xf32>
      %mul3A_587 = arith.mulf %max3A_499, %mul3A_586 : vector<16xf32>
      %add3A_588 = arith.addf %add3A_585, %mul3A_587 : vector<16xf32>
      %mul3A_589 = vector.broadcast %squeeze3A_115 : f32 to vector<16xf32>
      %mul3A_590 = arith.mulf %max3A_506, %mul3A_589 : vector<16xf32>
      %add3A_591 = arith.addf %add3A_588, %mul3A_590 : vector<16xf32>
      %mul3A_592 = vector.broadcast %squeeze3A_117 : f32 to vector<16xf32>
      %mul3A_593 = arith.mulf %max3A_513, %mul3A_592 : vector<16xf32>
      %add3A_594 = arith.addf %add3A_591, %mul3A_593 : vector<16xf32>
      %mul3A_595 = vector.broadcast %squeeze3A_119 : f32 to vector<16xf32>
      %mul3A_596 = arith.mulf %max3A_520, %mul3A_595 : vector<16xf32>
      %add3A_597 = arith.addf %add3A_594, %mul3A_596 : vector<16xf32>
      %mul3A_598 = vector.broadcast %squeeze3A_121 : f32 to vector<16xf32>
      %mul3A_599 = arith.mulf %max3A_527, %mul3A_598 : vector<16xf32>
      %add3A_600 = arith.addf %add3A_597, %mul3A_599 : vector<16xf32>
      %mul3A_601 = vector.broadcast %squeeze3A_123 : f32 to vector<16xf32>
      %mul3A_602 = arith.mulf %max3A_534, %mul3A_601 : vector<16xf32>
      %add3A_603 = arith.addf %add3A_600, %mul3A_602 : vector<16xf32>
      %mul3A_604 = vector.broadcast %squeeze3A_125 : f32 to vector<16xf32>
      %mul3A_605 = arith.mulf %max3A_541, %mul3A_604 : vector<16xf32>
      %add3A_606 = arith.addf %add3A_603, %mul3A_605 : vector<16xf32>
      %mul3A_607 = vector.broadcast %squeeze3A_127 : f32 to vector<16xf32>
      %mul3A_608 = arith.mulf %max3A_548, %mul3A_607 : vector<16xf32>
      %add3A_609 = arith.addf %add3A_606, %mul3A_608 : vector<16xf32>
      %mul3A_610 = vector.broadcast %squeeze3A_129 : f32 to vector<16xf32>
      %mul3A_611 = arith.mulf %max3A_555, %mul3A_610 : vector<16xf32>
      %add3A_612 = arith.addf %add3A_609, %mul3A_611 : vector<16xf32>
      %mul3A_613 = arith.constant 16 : i32
      %mul3A_614 = arith.muli %scan3A_423, %mul3A_613 : i32
      %swap3A = arith.constant 0 : i32
      %swap3A_615 = arith.index_cast %swap3A : i32 to index
      %swap3A_616 = arith.index_cast %mul3A_614 : i32 to index
      %swap3A_617 = tpu.vector_load %arg19[%swap3A_615, %swap3A_616] {strides = array<i32>} : memref<10x512xf32, #tpu.memory_space<vmem>>, vector<16xf32>,
      tpu.vector_store %arg19[%swap3A_615, %swap3A_616], %add3A_612 {strides = array<i32>} : memref<10x512xf32, #tpu.memory_space<vmem>>, vector<16xf32>,
      %add3A_618 = arith.constant 1 : i32
      %add3A_619 = vector.broadcast %add3A_618 : i32 to vector<16xi32>
      %add3A_620 = arith.addi %mul3A_438, %add3A_619 : vector<16xi32>
      %gather3A_621 = tpu.vector_load_idx %arg17[%add3A_620] : memref<100xf32, #tpu.memory_space<vmem>>[vector<16xi32>], vector<16xf32>,
      %add3A_622 = arith.constant 1 : i32
      %add3A_623 = vector.broadcast %add3A_622 : i32 to vector<16xi32>
      %add3A_624 = arith.addi %mul3A_445, %add3A_623 : vector<16xi32>
      %gather3A_625 = tpu.vector_load_idx %arg18[%add3A_624] : memref<210xf32, #tpu.memory_space<vmem>>[vector<16xi32>], vector<16xf32>,
      %add3A_626 = arith.addf %gather3A_621, %gather3A_625 : vector<16xf32>
      %mul3A_627 = vector.broadcast %squeeze3A_131 : f32 to vector<16xf32>
      %mul3A_628 = arith.mulf %max3A_450, %mul3A_627 : vector<16xf32>
      %add3A_629 = arith.addf %add3A_626, %mul3A_628 : vector<16xf32>
      %mul3A_630 = vector.broadcast %squeeze3A_133 : f32 to vector<16xf32>
      %mul3A_631 = arith.mulf %max3A_457, %mul3A_630 : vector<16xf32>
      %add3A_632 = arith.addf %add3A_629, %mul3A_631 : vector<16xf32>
      %mul3A_633 = vector.broadcast %squeeze3A_135 : f32 to vector<16xf32>
      %mul3A_634 = arith.mulf %max3A_464, %mul3A_633 : vector<16xf32>
      %add3A_635 = arith.addf %add3A_632, %mul3A_634 : vector<16xf32>
      %mul3A_636 = vector.broadcast %squeeze3A_137 : f32 to vector<16xf32>
      %mul3A_637 = arith.mulf %max3A_471, %mul3A_636 : vector<16xf32>
      %add3A_638 = arith.addf %add3A_635, %mul3A_637 : vector<16xf32>
      %mul3A_639 = vector.broadcast %squeeze3A_139 : f32 to vector<16xf32>
      %mul3A_640 = arith.mulf %max3A_478, %mul3A_639 : vector<16xf32>
      %add3A_641 = arith.addf %add3A_638, %mul3A_640 : vector<16xf32>
      %mul3A_642 = vector.broadcast %squeeze3A_141 : f32 to vector<16xf32>
      %mul3A_643 = arith.mulf %max3A_485, %mul3A_642 : vector<16xf32>
      %add3A_644 = arith.addf %add3A_641, %mul3A_643 : vector<16xf32>
      %mul3A_645 = vector.broadcast %squeeze3A_143 : f32 to vector<16xf32>
      %mul3A_646 = arith.mulf %max3A_492, %mul3A_645 : vector<16xf32>
      %add3A_647 = arith.addf %add3A_644, %mul3A_646 : vector<16xf32>
      %mul3A_648 = vector.broadcast %squeeze3A_145 : f32 to vector<16xf32>
      %mul3A_649 = arith.mulf %max3A_499, %mul3A_648 : vector<16xf32>
      %add3A_650 = arith.addf %add3A_647, %mul3A_649 : vector<16xf32>
      %mul3A_651 = vector.broadcast %squeeze3A_147 : f32 to vector<16xf32>
      %mul3A_652 = arith.mulf %max3A_506, %mul3A_651 : vector<16xf32>
      %add3A_653 = arith.addf %add3A_650, %mul3A_652 : vector<16xf32>
      %mul3A_654 = vector.broadcast %squeeze3A_149 : f32 to vector<16xf32>
      %mul3A_655 = arith.mulf %max3A_513, %mul3A_654 : vector<16xf32>
      %add3A_656 = arith.addf %add3A_653, %mul3A_655 : vector<16xf32>
      %mul3A_657 = vector.broadcast %squeeze3A_151 : f32 to vector<16xf32>
      %mul3A_658 = arith.mulf %max3A_520, %mul3A_657 : vector<16xf32>
      %add3A_659 = arith.addf %add3A_656, %mul3A_658 : vector<16xf32>
      %mul3A_660 = vector.broadcast %squeeze3A_153 : f32 to vector<16xf32>
      %mul3A_661 = arith.mulf %max3A_527, %mul3A_660 : vector<16xf32>
      %add3A_662 = arith.addf %add3A_659, %mul3A_661 : vector<16xf32>
      %mul3A_663 = vector.broadcast %squeeze3A_155 : f32 to vector<16xf32>
      %mul3A_664 = arith.mulf %max3A_534, %mul3A_663 : vector<16xf32>
      %add3A_665 = arith.addf %add3A_662, %mul3A_664 : vector<16xf32>
      %mul3A_666 = vector.broadcast %squeeze3A_157 : f32 to vector<16xf32>
      %mul3A_667 = arith.mulf %max3A_541, %mul3A_666 : vector<16xf32>
      %add3A_668 = arith.addf %add3A_665, %mul3A_667 : vector<16xf32>
      %mul3A_669 = vector.broadcast %squeeze3A_159 : f32 to vector<16xf32>
      %mul3A_670 = arith.mulf %max3A_548, %mul3A_669 : vector<16xf32>
      %add3A_671 = arith.addf %add3A_668, %mul3A_670 : vector<16xf32>
      %mul3A_672 = vector.broadcast %squeeze3A_161 : f32 to vector<16xf32>
      %mul3A_673 = arith.mulf %max3A_555, %mul3A_672 : vector<16xf32>
      %add3A_674 = arith.addf %add3A_671, %mul3A_673 : vector<16xf32>
      %mul3A_675 = arith.constant 16 : i32
      %mul3A_676 = arith.muli %scan3A_423, %mul3A_675 : i32
      %swap3A_677 = arith.constant 1 : i32
      %swap3A_678 = arith.index_cast %swap3A_677 : i32 to index
      %swap3A_679 = arith.index_cast %mul3A_676 : i32 to index
      %swap3A_680 = tpu.vector_load %arg19[%swap3A_678, %swap3A_679] {strides = array<i32>} : memref<10x512xf32, #tpu.memory_space<vmem>>, vector<16xf32>,
      tpu.vector_store %arg19[%swap3A_678, %swap3A_679], %add3A_674 {strides = array<i32>} : memref<10x512xf32, #tpu.memory_space<vmem>>, vector<16xf32>,
      %add3A_681 = arith.constant 2 : i32
      %add3A_682 = vector.broadcast %add3A_681 : i32 to vector<16xi32>
      %add3A_683 = arith.addi %mul3A_438, %add3A_682 : vector<16xi32>
      %gather3A_684 = tpu.vector_load_idx %arg17[%add3A_683] : memref<100xf32, #tpu.memory_space<vmem>>[vector<16xi32>], vector<16xf32>,
      %add3A_685 = arith.constant 2 : i32
      %add3A_686 = vector.broadcast %add3A_685 : i32 to vector<16xi32>
      %add3A_687 = arith.addi %mul3A_445, %add3A_686 : vector<16xi32>
      %gather3A_688 = tpu.vector_load_idx %arg18[%add3A_687] : memref<210xf32, #tpu.memory_space<vmem>>[vector<16xi32>], vector<16xf32>,
      %add3A_689 = arith.addf %gather3A_684, %gather3A_688 : vector<16xf32>
      %mul3A_690 = vector.broadcast %squeeze3A_163 : f32 to vector<16xf32>
      %mul3A_691 = arith.mulf %max3A_450, %mul3A_690 : vector<16xf32>
      %add3A_692 = arith.addf %add3A_689, %mul3A_691 : vector<16xf32>
      %mul3A_693 = vector.broadcast %squeeze3A_165 : f32 to vector<16xf32>
      %mul3A_694 = arith.mulf %max3A_457, %mul3A_693 : vector<16xf32>
      %add3A_695 = arith.addf %add3A_692, %mul3A_694 : vector<16xf32>
      %mul3A_696 = vector.broadcast %squeeze3A_167 : f32 to vector<16xf32>
      %mul3A_697 = arith.mulf %max3A_464, %mul3A_696 : vector<16xf32>
      %add3A_698 = arith.addf %add3A_695, %mul3A_697 : vector<16xf32>
      %mul3A_699 = vector.broadcast %squeeze3A_169 : f32 to vector<16xf32>
      %mul3A_700 = arith.mulf %max3A_471, %mul3A_699 : vector<16xf32>
      %add3A_701 = arith.addf %add3A_698, %mul3A_700 : vector<16xf32>
      %mul3A_702 = vector.broadcast %squeeze3A_171 : f32 to vector<16xf32>
      %mul3A_703 = arith.mulf %max3A_478, %mul3A_702 : vector<16xf32>
      %add3A_704 = arith.addf %add3A_701, %mul3A_703 : vector<16xf32>
      %mul3A_705 = vector.broadcast %squeeze3A_173 : f32 to vector<16xf32>
      %mul3A_706 = arith.mulf %max3A_485, %mul3A_705 : vector<16xf32>
      %add3A_707 = arith.addf %add3A_704, %mul3A_706 : vector<16xf32>
      %mul3A_708 = vector.broadcast %squeeze3A_175 : f32 to vector<16xf32>
      %mul3A_709 = arith.mulf %max3A_492, %mul3A_708 : vector<16xf32>
      %add3A_710 = arith.addf %add3A_707, %mul3A_709 : vector<16xf32>
      %mul3A_711 = vector.broadcast %squeeze3A_177 : f32 to vector<16xf32>
      %mul3A_712 = arith.mulf %max3A_499, %mul3A_711 : vector<16xf32>
      %add3A_713 = arith.addf %add3A_710, %mul3A_712 : vector<16xf32>
      %mul3A_714 = vector.broadcast %squeeze3A_179 : f32 to vector<16xf32>
      %mul3A_715 = arith.mulf %max3A_506, %mul3A_714 : vector<16xf32>
      %add3A_716 = arith.addf %add3A_713, %mul3A_715 : vector<16xf32>
      %mul3A_717 = vector.broadcast %squeeze3A_181 : f32 to vector<16xf32>
      %mul3A_718 = arith.mulf %max3A_513, %mul3A_717 : vector<16xf32>
      %add3A_719 = arith.addf %add3A_716, %mul3A_718 : vector<16xf32>
      %mul3A_720 = vector.broadcast %squeeze3A_183 : f32 to vector<16xf32>
      %mul3A_721 = arith.mulf %max3A_520, %mul3A_720 : vector<16xf32>
      %add3A_722 = arith.addf %add3A_719, %mul3A_721 : vector<16xf32>
      %mul3A_723 = vector.broadcast %squeeze3A_185 : f32 to vector<16xf32>
      %mul3A_724 = arith.mulf %max3A_527, %mul3A_723 : vector<16xf32>
      %add3A_725 = arith.addf %add3A_722, %mul3A_724 : vector<16xf32>
      %mul3A_726 = vector.broadcast %squeeze3A_187 : f32 to vector<16xf32>
      %mul3A_727 = arith.mulf %max3A_534, %mul3A_726 : vector<16xf32>
      %add3A_728 = arith.addf %add3A_725, %mul3A_727 : vector<16xf32>
      %mul3A_729 = vector.broadcast %squeeze3A_189 : f32 to vector<16xf32>
      %mul3A_730 = arith.mulf %max3A_541, %mul3A_729 : vector<16xf32>
      %add3A_731 = arith.addf %add3A_728, %mul3A_730 : vector<16xf32>
      %mul3A_732 = vector.broadcast %squeeze3A_191 : f32 to vector<16xf32>
      %mul3A_733 = arith.mulf %max3A_548, %mul3A_732 : vector<16xf32>
      %add3A_734 = arith.addf %add3A_731, %mul3A_733 : vector<16xf32>
      %mul3A_735 = vector.broadcast %squeeze3A_193 : f32 to vector<16xf32>
      %mul3A_736 = arith.mulf %max3A_555, %mul3A_735 : vector<16xf32>
      %add3A_737 = arith.addf %add3A_734, %mul3A_736 : vector<16xf32>
      %mul3A_738 = arith.constant 16 : i32
      %mul3A_739 = arith.muli %scan3A_423, %mul3A_738 : i32
      %swap3A_740 = arith.constant 2 : i32
      %swap3A_741 = arith.index_cast %swap3A_740 : i32 to index
      %swap3A_742 = arith.index_cast %mul3A_739 : i32 to index
      %swap3A_743 = tpu.vector_load %arg19[%swap3A_741, %swap3A_742] {strides = array<i32>} : memref<10x512xf32, #tpu.memory_space<vmem>>, vector<16xf32>,
      tpu.vector_store %arg19[%swap3A_741, %swap3A_742], %add3A_737 {strides = array<i32>} : memref<10x512xf32, #tpu.memory_space<vmem>>, vector<16xf32>,
      %add3A_744 = arith.constant 3 : i32
      %add3A_745 = vector.broadcast %add3A_744 : i32 to vector<16xi32>
      %add3A_746 = arith.addi %mul3A_438, %add3A_745 : vector<16xi32>
      %gather3A_747 = tpu.vector_load_idx %arg17[%add3A_746] : memref<100xf32, #tpu.memory_space<vmem>>[vector<16xi32>], vector<16xf32>,
      %add3A_748 = arith.constant 3 : i32
      %add3A_749 = vector.broadcast %add3A_748 : i32 to vector<16xi32>
      %add3A_750 = arith.addi %mul3A_445, %add3A_749 : vector<16xi32>
      %gather3A_751 = tpu.vector_load_idx %arg18[%add3A_750] : memref<210xf32, #tpu.memory_space<vmem>>[vector<16xi32>], vector<16xf32>,
      %add3A_752 = arith.addf %gather3A_747, %gather3A_751 : vector<16xf32>
      %mul3A_753 = vector.broadcast %squeeze3A_195 : f32 to vector<16xf32>
      %mul3A_754 = arith.mulf %max3A_450, %mul3A_753 : vector<16xf32>
      %add3A_755 = arith.addf %add3A_752, %mul3A_754 : vector<16xf32>
      %mul3A_756 = vector.broadcast %squeeze3A_197 : f32 to vector<16xf32>
      %mul3A_757 = arith.mulf %max3A_457, %mul3A_756 : vector<16xf32>
      %add3A_758 = arith.addf %add3A_755, %mul3A_757 : vector<16xf32>
      %mul3A_759 = vector.broadcast %squeeze3A_199 : f32 to vector<16xf32>
      %mul3A_760 = arith.mulf %max3A_464, %mul3A_759 : vector<16xf32>
      %add3A_761 = arith.addf %add3A_758, %mul3A_760 : vector<16xf32>
      %mul3A_762 = vector.broadcast %squeeze3A_201 : f32 to vector<16xf32>
      %mul3A_763 = arith.mulf %max3A_471, %mul3A_762 : vector<16xf32>
      %add3A_764 = arith.addf %add3A_761, %mul3A_763 : vector<16xf32>
      %mul3A_765 = vector.broadcast %squeeze3A_203 : f32 to vector<16xf32>
      %mul3A_766 = arith.mulf %max3A_478, %mul3A_765 : vector<16xf32>
      %add3A_767 = arith.addf %add3A_764, %mul3A_766 : vector<16xf32>
      %mul3A_768 = vector.broadcast %squeeze3A_205 : f32 to vector<16xf32>
      %mul3A_769 = arith.mulf %max3A_485, %mul3A_768 : vector<16xf32>
      %add3A_770 = arith.addf %add3A_767, %mul3A_769 : vector<16xf32>
      %mul3A_771 = vector.broadcast %squeeze3A_207 : f32 to vector<16xf32>
      %mul3A_772 = arith.mulf %max3A_492, %mul3A_771 : vector<16xf32>
      %add3A_773 = arith.addf %add3A_770, %mul3A_772 : vector<16xf32>
      %mul3A_774 = vector.broadcast %squeeze3A_209 : f32 to vector<16xf32>
      %mul3A_775 = arith.mulf %max3A_499, %mul3A_774 : vector<16xf32>
      %add3A_776 = arith.addf %add3A_773, %mul3A_775 : vector<16xf32>
      %mul3A_777 = vector.broadcast %squeeze3A_211 : f32 to vector<16xf32>
      %mul3A_778 = arith.mulf %max3A_506, %mul3A_777 : vector<16xf32>
      %add3A_779 = arith.addf %add3A_776, %mul3A_778 : vector<16xf32>
      %mul3A_780 = vector.broadcast %squeeze3A_213 : f32 to vector<16xf32>
      %mul3A_781 = arith.mulf %max3A_513, %mul3A_780 : vector<16xf32>
      %add3A_782 = arith.addf %add3A_779, %mul3A_781 : vector<16xf32>
      %mul3A_783 = vector.broadcast %squeeze3A_215 : f32 to vector<16xf32>
      %mul3A_784 = arith.mulf %max3A_520, %mul3A_783 : vector<16xf32>
      %add3A_785 = arith.addf %add3A_782, %mul3A_784 : vector<16xf32>
      %mul3A_786 = vector.broadcast %squeeze3A_217 : f32 to vector<16xf32>
      %mul3A_787 = arith.mulf %max3A_527, %mul3A_786 : vector<16xf32>
      %add3A_788 = arith.addf %add3A_785, %mul3A_787 : vector<16xf32>
      %mul3A_789 = vector.broadcast %squeeze3A_219 : f32 to vector<16xf32>
      %mul3A_790 = arith.mulf %max3A_534, %mul3A_789 : vector<16xf32>
      %add3A_791 = arith.addf %add3A_788, %mul3A_790 : vector<16xf32>
      %mul3A_792 = vector.broadcast %squeeze3A_221 : f32 to vector<16xf32>
      %mul3A_793 = arith.mulf %max3A_541, %mul3A_792 : vector<16xf32>
      %add3A_794 = arith.addf %add3A_791, %mul3A_793 : vector<16xf32>
      %mul3A_795 = vector.broadcast %squeeze3A_223 : f32 to vector<16xf32>
      %mul3A_796 = arith.mulf %max3A_548, %mul3A_795 : vector<16xf32>
      %add3A_797 = arith.addf %add3A_794, %mul3A_796 : vector<16xf32>
      %mul3A_798 = vector.broadcast %squeeze3A_225 : f32 to vector<16xf32>
      %mul3A_799 = arith.mulf %max3A_555, %mul3A_798 : vector<16xf32>
      %add3A_800 = arith.addf %add3A_797, %mul3A_799 : vector<16xf32>
      %mul3A_801 = arith.constant 16 : i32
      %mul3A_802 = arith.muli %scan3A_423, %mul3A_801 : i32
      %swap3A_803 = arith.constant 3 : i32
      %swap3A_804 = arith.index_cast %swap3A_803 : i32 to index
      %swap3A_805 = arith.index_cast %mul3A_802 : i32 to index
      %swap3A_806 = tpu.vector_load %arg19[%swap3A_804, %swap3A_805] {strides = array<i32>} : memref<10x512xf32, #tpu.memory_space<vmem>>, vector<16xf32>,
      tpu.vector_store %arg19[%swap3A_804, %swap3A_805], %add3A_800 {strides = array<i32>} : memref<10x512xf32, #tpu.memory_space<vmem>>, vector<16xf32>,
      %add3A_807 = arith.constant 4 : i32
      %add3A_808 = vector.broadcast %add3A_807 : i32 to vector<16xi32>
      %add3A_809 = arith.addi %mul3A_438, %add3A_808 : vector<16xi32>
      %gather3A_810 = tpu.vector_load_idx %arg17[%add3A_809] : memref<100xf32, #tpu.memory_space<vmem>>[vector<16xi32>], vector<16xf32>,
      %add3A_811 = arith.constant 4 : i32
      %add3A_812 = vector.broadcast %add3A_811 : i32 to vector<16xi32>
      %add3A_813 = arith.addi %mul3A_445, %add3A_812 : vector<16xi32>
      %gather3A_814 = tpu.vector_load_idx %arg18[%add3A_813] : memref<210xf32, #tpu.memory_space<vmem>>[vector<16xi32>], vector<16xf32>,
      %add3A_815 = arith.addf %gather3A_810, %gather3A_814 : vector<16xf32>
      %mul3A_816 = vector.broadcast %squeeze3A_227 : f32 to vector<16xf32>
      %mul3A_817 = arith.mulf %max3A_450, %mul3A_816 : vector<16xf32>
      %add3A_818 = arith.addf %add3A_815, %mul3A_817 : vector<16xf32>
      %mul3A_819 = vector.broadcast %squeeze3A_229 : f32 to vector<16xf32>
      %mul3A_820 = arith.mulf %max3A_457, %mul3A_819 : vector<16xf32>
      %add3A_821 = arith.addf %add3A_818, %mul3A_820 : vector<16xf32>
      %mul3A_822 = vector.broadcast %squeeze3A_231 : f32 to vector<16xf32>
      %mul3A_823 = arith.mulf %max3A_464, %mul3A_822 : vector<16xf32>
      %add3A_824 = arith.addf %add3A_821, %mul3A_823 : vector<16xf32>
      %mul3A_825 = vector.broadcast %squeeze3A_233 : f32 to vector<16xf32>
      %mul3A_826 = arith.mulf %max3A_471, %mul3A_825 : vector<16xf32>
      %add3A_827 = arith.addf %add3A_824, %mul3A_826 : vector<16xf32>
      %mul3A_828 = vector.broadcast %squeeze3A_235 : f32 to vector<16xf32>
      %mul3A_829 = arith.mulf %max3A_478, %mul3A_828 : vector<16xf32>
      %add3A_830 = arith.addf %add3A_827, %mul3A_829 : vector<16xf32>
      %mul3A_831 = vector.broadcast %squeeze3A_237 : f32 to vector<16xf32>
      %mul3A_832 = arith.mulf %max3A_485, %mul3A_831 : vector<16xf32>
      %add3A_833 = arith.addf %add3A_830, %mul3A_832 : vector<16xf32>
      %mul3A_834 = vector.broadcast %squeeze3A_239 : f32 to vector<16xf32>
      %mul3A_835 = arith.mulf %max3A_492, %mul3A_834 : vector<16xf32>
      %add3A_836 = arith.addf %add3A_833, %mul3A_835 : vector<16xf32>
      %mul3A_837 = vector.broadcast %squeeze3A_241 : f32 to vector<16xf32>
      %mul3A_838 = arith.mulf %max3A_499, %mul3A_837 : vector<16xf32>
      %add3A_839 = arith.addf %add3A_836, %mul3A_838 : vector<16xf32>
      %mul3A_840 = vector.broadcast %squeeze3A_243 : f32 to vector<16xf32>
      %mul3A_841 = arith.mulf %max3A_506, %mul3A_840 : vector<16xf32>
      %add3A_842 = arith.addf %add3A_839, %mul3A_841 : vector<16xf32>
      %mul3A_843 = vector.broadcast %squeeze3A_245 : f32 to vector<16xf32>
      %mul3A_844 = arith.mulf %max3A_513, %mul3A_843 : vector<16xf32>
      %add3A_845 = arith.addf %add3A_842, %mul3A_844 : vector<16xf32>
      %mul3A_846 = vector.broadcast %squeeze3A_247 : f32 to vector<16xf32>
      %mul3A_847 = arith.mulf %max3A_520, %mul3A_846 : vector<16xf32>
      %add3A_848 = arith.addf %add3A_845, %mul3A_847 : vector<16xf32>
      %mul3A_849 = vector.broadcast %squeeze3A_249 : f32 to vector<16xf32>
      %mul3A_850 = arith.mulf %max3A_527, %mul3A_849 : vector<16xf32>
      %add3A_851 = arith.addf %add3A_848, %mul3A_850 : vector<16xf32>
      %mul3A_852 = vector.broadcast %squeeze3A_251 : f32 to vector<16xf32>
      %mul3A_853 = arith.mulf %max3A_534, %mul3A_852 : vector<16xf32>
      %add3A_854 = arith.addf %add3A_851, %mul3A_853 : vector<16xf32>
      %mul3A_855 = vector.broadcast %squeeze3A_253 : f32 to vector<16xf32>
      %mul3A_856 = arith.mulf %max3A_541, %mul3A_855 : vector<16xf32>
      %add3A_857 = arith.addf %add3A_854, %mul3A_856 : vector<16xf32>
      %mul3A_858 = vector.broadcast %squeeze3A_255 : f32 to vector<16xf32>
      %mul3A_859 = arith.mulf %max3A_548, %mul3A_858 : vector<16xf32>
      %add3A_860 = arith.addf %add3A_857, %mul3A_859 : vector<16xf32>
      %mul3A_861 = vector.broadcast %squeeze3A_257 : f32 to vector<16xf32>
      %mul3A_862 = arith.mulf %max3A_555, %mul3A_861 : vector<16xf32>
      %add3A_863 = arith.addf %add3A_860, %mul3A_862 : vector<16xf32>
      %mul3A_864 = arith.constant 16 : i32
      %mul3A_865 = arith.muli %scan3A_423, %mul3A_864 : i32
      %swap3A_866 = arith.constant 4 : i32
      %swap3A_867 = arith.index_cast %swap3A_866 : i32 to index
      %swap3A_868 = arith.index_cast %mul3A_865 : i32 to index
      %swap3A_869 = tpu.vector_load %arg19[%swap3A_867, %swap3A_868] {strides = array<i32>} : memref<10x512xf32, #tpu.memory_space<vmem>>, vector<16xf32>,
      tpu.vector_store %arg19[%swap3A_867, %swap3A_868], %add3A_863 {strides = array<i32>} : memref<10x512xf32, #tpu.memory_space<vmem>>, vector<16xf32>,
      %add3A_870 = arith.constant 5 : i32
      %add3A_871 = vector.broadcast %add3A_870 : i32 to vector<16xi32>
      %add3A_872 = arith.addi %mul3A_438, %add3A_871 : vector<16xi32>
      %gather3A_873 = tpu.vector_load_idx %arg17[%add3A_872] : memref<100xf32, #tpu.memory_space<vmem>>[vector<16xi32>], vector<16xf32>,
      %add3A_874 = arith.constant 5 : i32
      %add3A_875 = vector.broadcast %add3A_874 : i32 to vector<16xi32>
      %add3A_876 = arith.addi %mul3A_445, %add3A_875 : vector<16xi32>
      %gather3A_877 = tpu.vector_load_idx %arg18[%add3A_876] : memref<210xf32, #tpu.memory_space<vmem>>[vector<16xi32>], vector<16xf32>,
      %add3A_878 = arith.addf %gather3A_873, %gather3A_877 : vector<16xf32>
      %mul3A_879 = vector.broadcast %squeeze3A_259 : f32 to vector<16xf32>
      %mul3A_880 = arith.mulf %max3A_450, %mul3A_879 : vector<16xf32>
      %add3A_881 = arith.addf %add3A_878, %mul3A_880 : vector<16xf32>
      %mul3A_882 = vector.broadcast %squeeze3A_261 : f32 to vector<16xf32>
      %mul3A_883 = arith.mulf %max3A_457, %mul3A_882 : vector<16xf32>
      %add3A_884 = arith.addf %add3A_881, %mul3A_883 : vector<16xf32>
      %mul3A_885 = vector.broadcast %squeeze3A_263 : f32 to vector<16xf32>
      %mul3A_886 = arith.mulf %max3A_464, %mul3A_885 : vector<16xf32>
      %add3A_887 = arith.addf %add3A_884, %mul3A_886 : vector<16xf32>
      %mul3A_888 = vector.broadcast %squeeze3A_265 : f32 to vector<16xf32>
      %mul3A_889 = arith.mulf %max3A_471, %mul3A_888 : vector<16xf32>
      %add3A_890 = arith.addf %add3A_887, %mul3A_889 : vector<16xf32>
      %mul3A_891 = vector.broadcast %squeeze3A_267 : f32 to vector<16xf32>
      %mul3A_892 = arith.mulf %max3A_478, %mul3A_891 : vector<16xf32>
      %add3A_893 = arith.addf %add3A_890, %mul3A_892 : vector<16xf32>
      %mul3A_894 = vector.broadcast %squeeze3A_269 : f32 to vector<16xf32>
      %mul3A_895 = arith.mulf %max3A_485, %mul3A_894 : vector<16xf32>
      %add3A_896 = arith.addf %add3A_893, %mul3A_895 : vector<16xf32>
      %mul3A_897 = vector.broadcast %squeeze3A_271 : f32 to vector<16xf32>
      %mul3A_898 = arith.mulf %max3A_492, %mul3A_897 : vector<16xf32>
      %add3A_899 = arith.addf %add3A_896, %mul3A_898 : vector<16xf32>
      %mul3A_900 = vector.broadcast %squeeze3A_273 : f32 to vector<16xf32>
      %mul3A_901 = arith.mulf %max3A_499, %mul3A_900 : vector<16xf32>
      %add3A_902 = arith.addf %add3A_899, %mul3A_901 : vector<16xf32>
      %mul3A_903 = vector.broadcast %squeeze3A_275 : f32 to vector<16xf32>
      %mul3A_904 = arith.mulf %max3A_506, %mul3A_903 : vector<16xf32>
      %add3A_905 = arith.addf %add3A_902, %mul3A_904 : vector<16xf32>
      %mul3A_906 = vector.broadcast %squeeze3A_277 : f32 to vector<16xf32>
      %mul3A_907 = arith.mulf %max3A_513, %mul3A_906 : vector<16xf32>
      %add3A_908 = arith.addf %add3A_905, %mul3A_907 : vector<16xf32>
      %mul3A_909 = vector.broadcast %squeeze3A_279 : f32 to vector<16xf32>
      %mul3A_910 = arith.mulf %max3A_520, %mul3A_909 : vector<16xf32>
      %add3A_911 = arith.addf %add3A_908, %mul3A_910 : vector<16xf32>
      %mul3A_912 = vector.broadcast %squeeze3A_281 : f32 to vector<16xf32>
      %mul3A_913 = arith.mulf %max3A_527, %mul3A_912 : vector<16xf32>
      %add3A_914 = arith.addf %add3A_911, %mul3A_913 : vector<16xf32>
      %mul3A_915 = vector.broadcast %squeeze3A_283 : f32 to vector<16xf32>
      %mul3A_916 = arith.mulf %max3A_534, %mul3A_915 : vector<16xf32>
      %add3A_917 = arith.addf %add3A_914, %mul3A_916 : vector<16xf32>
      %mul3A_918 = vector.broadcast %squeeze3A_285 : f32 to vector<16xf32>
      %mul3A_919 = arith.mulf %max3A_541, %mul3A_918 : vector<16xf32>
      %add3A_920 = arith.addf %add3A_917, %mul3A_919 : vector<16xf32>
      %mul3A_921 = vector.broadcast %squeeze3A_287 : f32 to vector<16xf32>
      %mul3A_922 = arith.mulf %max3A_548, %mul3A_921 : vector<16xf32>
      %add3A_923 = arith.addf %add3A_920, %mul3A_922 : vector<16xf32>
      %mul3A_924 = vector.broadcast %squeeze3A_289 : f32 to vector<16xf32>
      %mul3A_925 = arith.mulf %max3A_555, %mul3A_924 : vector<16xf32>
      %add3A_926 = arith.addf %add3A_923, %mul3A_925 : vector<16xf32>
      %mul3A_927 = arith.constant 16 : i32
      %mul3A_928 = arith.muli %scan3A_423, %mul3A_927 : i32
      %swap3A_929 = arith.constant 5 : i32
      %swap3A_930 = arith.index_cast %swap3A_929 : i32 to index
      %swap3A_931 = arith.index_cast %mul3A_928 : i32 to index
      %swap3A_932 = tpu.vector_load %arg19[%swap3A_930, %swap3A_931] {strides = array<i32>} : memref<10x512xf32, #tpu.memory_space<vmem>>, vector<16xf32>,
      tpu.vector_store %arg19[%swap3A_930, %swap3A_931], %add3A_926 {strides = array<i32>} : memref<10x512xf32, #tpu.memory_space<vmem>>, vector<16xf32>,
      %add3A_933 = arith.constant 6 : i32
      %add3A_934 = vector.broadcast %add3A_933 : i32 to vector<16xi32>
      %add3A_935 = arith.addi %mul3A_438, %add3A_934 : vector<16xi32>
      %gather3A_936 = tpu.vector_load_idx %arg17[%add3A_935] : memref<100xf32, #tpu.memory_space<vmem>>[vector<16xi32>], vector<16xf32>,
      %add3A_937 = arith.constant 6 : i32
      %add3A_938 = vector.broadcast %add3A_937 : i32 to vector<16xi32>
      %add3A_939 = arith.addi %mul3A_445, %add3A_938 : vector<16xi32>
      %gather3A_940 = tpu.vector_load_idx %arg18[%add3A_939] : memref<210xf32, #tpu.memory_space<vmem>>[vector<16xi32>], vector<16xf32>,
      %add3A_941 = arith.addf %gather3A_936, %gather3A_940 : vector<16xf32>
      %mul3A_942 = vector.broadcast %squeeze3A_291 : f32 to vector<16xf32>
      %mul3A_943 = arith.mulf %max3A_450, %mul3A_942 : vector<16xf32>
      %add3A_944 = arith.addf %add3A_941, %mul3A_943 : vector<16xf32>
      %mul3A_945 = vector.broadcast %squeeze3A_293 : f32 to vector<16xf32>
      %mul3A_946 = arith.mulf %max3A_457, %mul3A_945 : vector<16xf32>
      %add3A_947 = arith.addf %add3A_944, %mul3A_946 : vector<16xf32>
      %mul3A_948 = vector.broadcast %squeeze3A_295 : f32 to vector<16xf32>
      %mul3A_949 = arith.mulf %max3A_464, %mul3A_948 : vector<16xf32>
      %add3A_950 = arith.addf %add3A_947, %mul3A_949 : vector<16xf32>
      %mul3A_951 = vector.broadcast %squeeze3A_297 : f32 to vector<16xf32>
      %mul3A_952 = arith.mulf %max3A_471, %mul3A_951 : vector<16xf32>
      %add3A_953 = arith.addf %add3A_950, %mul3A_952 : vector<16xf32>
      %mul3A_954 = vector.broadcast %squeeze3A_299 : f32 to vector<16xf32>
      %mul3A_955 = arith.mulf %max3A_478, %mul3A_954 : vector<16xf32>
      %add3A_956 = arith.addf %add3A_953, %mul3A_955 : vector<16xf32>
      %mul3A_957 = vector.broadcast %squeeze3A_301 : f32 to vector<16xf32>
      %mul3A_958 = arith.mulf %max3A_485, %mul3A_957 : vector<16xf32>
      %add3A_959 = arith.addf %add3A_956, %mul3A_958 : vector<16xf32>
      %mul3A_960 = vector.broadcast %squeeze3A_303 : f32 to vector<16xf32>
      %mul3A_961 = arith.mulf %max3A_492, %mul3A_960 : vector<16xf32>
      %add3A_962 = arith.addf %add3A_959, %mul3A_961 : vector<16xf32>
      %mul3A_963 = vector.broadcast %squeeze3A_305 : f32 to vector<16xf32>
      %mul3A_964 = arith.mulf %max3A_499, %mul3A_963 : vector<16xf32>
      %add3A_965 = arith.addf %add3A_962, %mul3A_964 : vector<16xf32>
      %mul3A_966 = vector.broadcast %squeeze3A_307 : f32 to vector<16xf32>
      %mul3A_967 = arith.mulf %max3A_506, %mul3A_966 : vector<16xf32>
      %add3A_968 = arith.addf %add3A_965, %mul3A_967 : vector<16xf32>
      %mul3A_969 = vector.broadcast %squeeze3A_309 : f32 to vector<16xf32>
      %mul3A_970 = arith.mulf %max3A_513, %mul3A_969 : vector<16xf32>
      %add3A_971 = arith.addf %add3A_968, %mul3A_970 : vector<16xf32>
      %mul3A_972 = vector.broadcast %squeeze3A_311 : f32 to vector<16xf32>
      %mul3A_973 = arith.mulf %max3A_520, %mul3A_972 : vector<16xf32>
      %add3A_974 = arith.addf %add3A_971, %mul3A_973 : vector<16xf32>
      %mul3A_975 = vector.broadcast %squeeze3A_313 : f32 to vector<16xf32>
      %mul3A_976 = arith.mulf %max3A_527, %mul3A_975 : vector<16xf32>
      %add3A_977 = arith.addf %add3A_974, %mul3A_976 : vector<16xf32>
      %mul3A_978 = vector.broadcast %squeeze3A_315 : f32 to vector<16xf32>
      %mul3A_979 = arith.mulf %max3A_534, %mul3A_978 : vector<16xf32>
      %add3A_980 = arith.addf %add3A_977, %mul3A_979 : vector<16xf32>
      %mul3A_981 = vector.broadcast %squeeze3A_317 : f32 to vector<16xf32>
      %mul3A_982 = arith.mulf %max3A_541, %mul3A_981 : vector<16xf32>
      %add3A_983 = arith.addf %add3A_980, %mul3A_982 : vector<16xf32>
      %mul3A_984 = vector.broadcast %squeeze3A_319 : f32 to vector<16xf32>
      %mul3A_985 = arith.mulf %max3A_548, %mul3A_984 : vector<16xf32>
      %add3A_986 = arith.addf %add3A_983, %mul3A_985 : vector<16xf32>
      %mul3A_987 = vector.broadcast %squeeze3A_321 : f32 to vector<16xf32>
      %mul3A_988 = arith.mulf %max3A_555, %mul3A_987 : vector<16xf32>
      %add3A_989 = arith.addf %add3A_986, %mul3A_988 : vector<16xf32>
      %mul3A_990 = arith.constant 16 : i32
      %mul3A_991 = arith.muli %scan3A_423, %mul3A_990 : i32
      %swap3A_992 = arith.constant 6 : i32
      %swap3A_993 = arith.index_cast %swap3A_992 : i32 to index
      %swap3A_994 = arith.index_cast %mul3A_991 : i32 to index
      %swap3A_995 = tpu.vector_load %arg19[%swap3A_993, %swap3A_994] {strides = array<i32>} : memref<10x512xf32, #tpu.memory_space<vmem>>, vector<16xf32>,
      tpu.vector_store %arg19[%swap3A_993, %swap3A_994], %add3A_989 {strides = array<i32>} : memref<10x512xf32, #tpu.memory_space<vmem>>, vector<16xf32>,
      %add3A_996 = arith.constant 7 : i32
      %add3A_997 = vector.broadcast %add3A_996 : i32 to vector<16xi32>
      %add3A_998 = arith.addi %mul3A_438, %add3A_997 : vector<16xi32>
      %gather3A_999 = tpu.vector_load_idx %arg17[%add3A_998] : memref<100xf32, #tpu.memory_space<vmem>>[vector<16xi32>], vector<16xf32>,
      %add3A_1000 = arith.constant 7 : i32
      %add3A_1001 = vector.broadcast %add3A_1000 : i32 to vector<16xi32>
      %add3A_1002 = arith.addi %mul3A_445, %add3A_1001 : vector<16xi32>
      %gather3A_1003 = tpu.vector_load_idx %arg18[%add3A_1002] : memref<210xf32, #tpu.memory_space<vmem>>[vector<16xi32>], vector<16xf32>,
      %add3A_1004 = arith.addf %gather3A_999, %gather3A_1003 : vector<16xf32>
      %mul3A_1005 = vector.broadcast %squeeze3A_323 : f32 to vector<16xf32>
      %mul3A_1006 = arith.mulf %max3A_450, %mul3A_1005 : vector<16xf32>
      %add3A_1007 = arith.addf %add3A_1004, %mul3A_1006 : vector<16xf32>
      %mul3A_1008 = vector.broadcast %squeeze3A_325 : f32 to vector<16xf32>
      %mul3A_1009 = arith.mulf %max3A_457, %mul3A_1008 : vector<16xf32>
      %add3A_1010 = arith.addf %add3A_1007, %mul3A_1009 : vector<16xf32>
      %mul3A_1011 = vector.broadcast %squeeze3A_327 : f32 to vector<16xf32>
      %mul3A_1012 = arith.mulf %max3A_464, %mul3A_1011 : vector<16xf32>
      %add3A_1013 = arith.addf %add3A_1010, %mul3A_1012 : vector<16xf32>
      %mul3A_1014 = vector.broadcast %squeeze3A_329 : f32 to vector<16xf32>
      %mul3A_1015 = arith.mulf %max3A_471, %mul3A_1014 : vector<16xf32>
      %add3A_1016 = arith.addf %add3A_1013, %mul3A_1015 : vector<16xf32>
      %mul3A_1017 = vector.broadcast %squeeze3A_331 : f32 to vector<16xf32>
      %mul3A_1018 = arith.mulf %max3A_478, %mul3A_1017 : vector<16xf32>
      %add3A_1019 = arith.addf %add3A_1016, %mul3A_1018 : vector<16xf32>
      %mul3A_1020 = vector.broadcast %squeeze3A_333 : f32 to vector<16xf32>
      %mul3A_1021 = arith.mulf %max3A_485, %mul3A_1020 : vector<16xf32>
      %add3A_1022 = arith.addf %add3A_1019, %mul3A_1021 : vector<16xf32>
      %mul3A_1023 = vector.broadcast %squeeze3A_335 : f32 to vector<16xf32>
      %mul3A_1024 = arith.mulf %max3A_492, %mul3A_1023 : vector<16xf32>
      %add3A_1025 = arith.addf %add3A_1022, %mul3A_1024 : vector<16xf32>
      %mul3A_1026 = vector.broadcast %squeeze3A_337 : f32 to vector<16xf32>
      %mul3A_1027 = arith.mulf %max3A_499, %mul3A_1026 : vector<16xf32>
      %add3A_1028 = arith.addf %add3A_1025, %mul3A_1027 : vector<16xf32>
      %mul3A_1029 = vector.broadcast %squeeze3A_339 : f32 to vector<16xf32>
      %mul3A_1030 = arith.mulf %max3A_506, %mul3A_1029 : vector<16xf32>
      %add3A_1031 = arith.addf %add3A_1028, %mul3A_1030 : vector<16xf32>
      %mul3A_1032 = vector.broadcast %squeeze3A_341 : f32 to vector<16xf32>
      %mul3A_1033 = arith.mulf %max3A_513, %mul3A_1032 : vector<16xf32>
      %add3A_1034 = arith.addf %add3A_1031, %mul3A_1033 : vector<16xf32>
      %mul3A_1035 = vector.broadcast %squeeze3A_343 : f32 to vector<16xf32>
      %mul3A_1036 = arith.mulf %max3A_520, %mul3A_1035 : vector<16xf32>
      %add3A_1037 = arith.addf %add3A_1034, %mul3A_1036 : vector<16xf32>
      %mul3A_1038 = vector.broadcast %squeeze3A_345 : f32 to vector<16xf32>
      %mul3A_1039 = arith.mulf %max3A_527, %mul3A_1038 : vector<16xf32>
      %add3A_1040 = arith.addf %add3A_1037, %mul3A_1039 : vector<16xf32>
      %mul3A_1041 = vector.broadcast %squeeze3A_347 : f32 to vector<16xf32>
      %mul3A_1042 = arith.mulf %max3A_534, %mul3A_1041 : vector<16xf32>
      %add3A_1043 = arith.addf %add3A_1040, %mul3A_1042 : vector<16xf32>
      %mul3A_1044 = vector.broadcast %squeeze3A_349 : f32 to vector<16xf32>
      %mul3A_1045 = arith.mulf %max3A_541, %mul3A_1044 : vector<16xf32>
      %add3A_1046 = arith.addf %add3A_1043, %mul3A_1045 : vector<16xf32>
      %mul3A_1047 = vector.broadcast %squeeze3A_351 : f32 to vector<16xf32>
      %mul3A_1048 = arith.mulf %max3A_548, %mul3A_1047 : vector<16xf32>
      %add3A_1049 = arith.addf %add3A_1046, %mul3A_1048 : vector<16xf32>
      %mul3A_1050 = vector.broadcast %squeeze3A_353 : f32 to vector<16xf32>
      %mul3A_1051 = arith.mulf %max3A_555, %mul3A_1050 : vector<16xf32>
      %add3A_1052 = arith.addf %add3A_1049, %mul3A_1051 : vector<16xf32>
      %mul3A_1053 = arith.constant 16 : i32
      %mul3A_1054 = arith.muli %scan3A_423, %mul3A_1053 : i32
      %swap3A_1055 = arith.constant 7 : i32
      %swap3A_1056 = arith.index_cast %swap3A_1055 : i32 to index
      %swap3A_1057 = arith.index_cast %mul3A_1054 : i32 to index
      %swap3A_1058 = tpu.vector_load %arg19[%swap3A_1056, %swap3A_1057] {strides = array<i32>} : memref<10x512xf32, #tpu.memory_space<vmem>>, vector<16xf32>,
      tpu.vector_store %arg19[%swap3A_1056, %swap3A_1057], %add3A_1052 {strides = array<i32>} : memref<10x512xf32, #tpu.memory_space<vmem>>, vector<16xf32>,
      %add3A_1059 = arith.constant 8 : i32
      %add3A_1060 = vector.broadcast %add3A_1059 : i32 to vector<16xi32>
      %add3A_1061 = arith.addi %mul3A_438, %add3A_1060 : vector<16xi32>
      %gather3A_1062 = tpu.vector_load_idx %arg17[%add3A_1061] : memref<100xf32, #tpu.memory_space<vmem>>[vector<16xi32>], vector<16xf32>,
      %add3A_1063 = arith.constant 8 : i32
      %add3A_1064 = vector.broadcast %add3A_1063 : i32 to vector<16xi32>
      %add3A_1065 = arith.addi %mul3A_445, %add3A_1064 : vector<16xi32>
      %gather3A_1066 = tpu.vector_load_idx %arg18[%add3A_1065] : memref<210xf32, #tpu.memory_space<vmem>>[vector<16xi32>], vector<16xf32>,
      %add3A_1067 = arith.addf %gather3A_1062, %gather3A_1066 : vector<16xf32>
      %mul3A_1068 = vector.broadcast %squeeze3A_355 : f32 to vector<16xf32>
      %mul3A_1069 = arith.mulf %max3A_450, %mul3A_1068 : vector<16xf32>
      %add3A_1070 = arith.addf %add3A_1067, %mul3A_1069 : vector<16xf32>
      %mul3A_1071 = vector.broadcast %squeeze3A_357 : f32 to vector<16xf32>
      %mul3A_1072 = arith.mulf %max3A_457, %mul3A_1071 : vector<16xf32>
      %add3A_1073 = arith.addf %add3A_1070, %mul3A_1072 : vector<16xf32>
      %mul3A_1074 = vector.broadcast %squeeze3A_359 : f32 to vector<16xf32>
      %mul3A_1075 = arith.mulf %max3A_464, %mul3A_1074 : vector<16xf32>
      %add3A_1076 = arith.addf %add3A_1073, %mul3A_1075 : vector<16xf32>
      %mul3A_1077 = vector.broadcast %squeeze3A_361 : f32 to vector<16xf32>
      %mul3A_1078 = arith.mulf %max3A_471, %mul3A_1077 : vector<16xf32>
      %add3A_1079 = arith.addf %add3A_1076, %mul3A_1078 : vector<16xf32>
      %mul3A_1080 = vector.broadcast %squeeze3A_363 : f32 to vector<16xf32>
      %mul3A_1081 = arith.mulf %max3A_478, %mul3A_1080 : vector<16xf32>
      %add3A_1082 = arith.addf %add3A_1079, %mul3A_1081 : vector<16xf32>
      %mul3A_1083 = vector.broadcast %squeeze3A_365 : f32 to vector<16xf32>
      %mul3A_1084 = arith.mulf %max3A_485, %mul3A_1083 : vector<16xf32>
      %add3A_1085 = arith.addf %add3A_1082, %mul3A_1084 : vector<16xf32>
      %mul3A_1086 = vector.broadcast %squeeze3A_367 : f32 to vector<16xf32>
      %mul3A_1087 = arith.mulf %max3A_492, %mul3A_1086 : vector<16xf32>
      %add3A_1088 = arith.addf %add3A_1085, %mul3A_1087 : vector<16xf32>
      %mul3A_1089 = vector.broadcast %squeeze3A_369 : f32 to vector<16xf32>
      %mul3A_1090 = arith.mulf %max3A_499, %mul3A_1089 : vector<16xf32>
      %add3A_1091 = arith.addf %add3A_1088, %mul3A_1090 : vector<16xf32>
      %mul3A_1092 = vector.broadcast %squeeze3A_371 : f32 to vector<16xf32>
      %mul3A_1093 = arith.mulf %max3A_506, %mul3A_1092 : vector<16xf32>
      %add3A_1094 = arith.addf %add3A_1091, %mul3A_1093 : vector<16xf32>
      %mul3A_1095 = vector.broadcast %squeeze3A_373 : f32 to vector<16xf32>
      %mul3A_1096 = arith.mulf %max3A_513, %mul3A_1095 : vector<16xf32>
      %add3A_1097 = arith.addf %add3A_1094, %mul3A_1096 : vector<16xf32>
      %mul3A_1098 = vector.broadcast %squeeze3A_375 : f32 to vector<16xf32>
      %mul3A_1099 = arith.mulf %max3A_520, %mul3A_1098 : vector<16xf32>
      %add3A_1100 = arith.addf %add3A_1097, %mul3A_1099 : vector<16xf32>
      %mul3A_1101 = vector.broadcast %squeeze3A_377 : f32 to vector<16xf32>
      %mul3A_1102 = arith.mulf %max3A_527, %mul3A_1101 : vector<16xf32>
      %add3A_1103 = arith.addf %add3A_1100, %mul3A_1102 : vector<16xf32>
      %mul3A_1104 = vector.broadcast %squeeze3A_379 : f32 to vector<16xf32>
      %mul3A_1105 = arith.mulf %max3A_534, %mul3A_1104 : vector<16xf32>
      %add3A_1106 = arith.addf %add3A_1103, %mul3A_1105 : vector<16xf32>
      %mul3A_1107 = vector.broadcast %squeeze3A_381 : f32 to vector<16xf32>
      %mul3A_1108 = arith.mulf %max3A_541, %mul3A_1107 : vector<16xf32>
      %add3A_1109 = arith.addf %add3A_1106, %mul3A_1108 : vector<16xf32>
      %mul3A_1110 = vector.broadcast %squeeze3A_383 : f32 to vector<16xf32>
      %mul3A_1111 = arith.mulf %max3A_548, %mul3A_1110 : vector<16xf32>
      %add3A_1112 = arith.addf %add3A_1109, %mul3A_1111 : vector<16xf32>
      %mul3A_1113 = vector.broadcast %squeeze3A_385 : f32 to vector<16xf32>
      %mul3A_1114 = arith.mulf %max3A_555, %mul3A_1113 : vector<16xf32>
      %add3A_1115 = arith.addf %add3A_1112, %mul3A_1114 : vector<16xf32>
      %mul3A_1116 = arith.constant 16 : i32
      %mul3A_1117 = arith.muli %scan3A_423, %mul3A_1116 : i32
      %swap3A_1118 = arith.constant 8 : i32
      %swap3A_1119 = arith.index_cast %swap3A_1118 : i32 to index
      %swap3A_1120 = arith.index_cast %mul3A_1117 : i32 to index
      %swap3A_1121 = tpu.vector_load %arg19[%swap3A_1119, %swap3A_1120] {strides = array<i32>} : memref<10x512xf32, #tpu.memory_space<vmem>>, vector<16xf32>,
      tpu.vector_store %arg19[%swap3A_1119, %swap3A_1120], %add3A_1115 {strides = array<i32>} : memref<10x512xf32, #tpu.memory_space<vmem>>, vector<16xf32>,
      %add3A_1122 = arith.constant 9 : i32
      %add3A_1123 = vector.broadcast %add3A_1122 : i32 to vector<16xi32>
      %add3A_1124 = arith.addi %mul3A_438, %add3A_1123 : vector<16xi32>
      %gather3A_1125 = tpu.vector_load_idx %arg17[%add3A_1124] : memref<100xf32, #tpu.memory_space<vmem>>[vector<16xi32>], vector<16xf32>,
      %add3A_1126 = arith.constant 9 : i32
      %add3A_1127 = vector.broadcast %add3A_1126 : i32 to vector<16xi32>
      %add3A_1128 = arith.addi %mul3A_445, %add3A_1127 : vector<16xi32>
      %gather3A_1129 = tpu.vector_load_idx %arg18[%add3A_1128] : memref<210xf32, #tpu.memory_space<vmem>>[vector<16xi32>], vector<16xf32>,
      %add3A_1130 = arith.addf %gather3A_1125, %gather3A_1129 : vector<16xf32>
      %mul3A_1131 = vector.broadcast %squeeze3A_387 : f32 to vector<16xf32>
      %mul3A_1132 = arith.mulf %max3A_450, %mul3A_1131 : vector<16xf32>
      %add3A_1133 = arith.addf %add3A_1130, %mul3A_1132 : vector<16xf32>
      %mul3A_1134 = vector.broadcast %squeeze3A_389 : f32 to vector<16xf32>
      %mul3A_1135 = arith.mulf %max3A_457, %mul3A_1134 : vector<16xf32>
      %add3A_1136 = arith.addf %add3A_1133, %mul3A_1135 : vector<16xf32>
      %mul3A_1137 = vector.broadcast %squeeze3A_391 : f32 to vector<16xf32>
      %mul3A_1138 = arith.mulf %max3A_464, %mul3A_1137 : vector<16xf32>
      %add3A_1139 = arith.addf %add3A_1136, %mul3A_1138 : vector<16xf32>
      %mul3A_1140 = vector.broadcast %squeeze3A_393 : f32 to vector<16xf32>
      %mul3A_1141 = arith.mulf %max3A_471, %mul3A_1140 : vector<16xf32>
      %add3A_1142 = arith.addf %add3A_1139, %mul3A_1141 : vector<16xf32>
      %mul3A_1143 = vector.broadcast %squeeze3A_395 : f32 to vector<16xf32>
      %mul3A_1144 = arith.mulf %max3A_478, %mul3A_1143 : vector<16xf32>
      %add3A_1145 = arith.addf %add3A_1142, %mul3A_1144 : vector<16xf32>
      %mul3A_1146 = vector.broadcast %squeeze3A_397 : f32 to vector<16xf32>
      %mul3A_1147 = arith.mulf %max3A_485, %mul3A_1146 : vector<16xf32>
      %add3A_1148 = arith.addf %add3A_1145, %mul3A_1147 : vector<16xf32>
      %mul3A_1149 = vector.broadcast %squeeze3A_399 : f32 to vector<16xf32>
      %mul3A_1150 = arith.mulf %max3A_492, %mul3A_1149 : vector<16xf32>
      %add3A_1151 = arith.addf %add3A_1148, %mul3A_1150 : vector<16xf32>
      %mul3A_1152 = vector.broadcast %squeeze3A_401 : f32 to vector<16xf32>
      %mul3A_1153 = arith.mulf %max3A_499, %mul3A_1152 : vector<16xf32>
      %add3A_1154 = arith.addf %add3A_1151, %mul3A_1153 : vector<16xf32>
      %mul3A_1155 = vector.broadcast %squeeze3A_403 : f32 to vector<16xf32>
      %mul3A_1156 = arith.mulf %max3A_506, %mul3A_1155 : vector<16xf32>
      %add3A_1157 = arith.addf %add3A_1154, %mul3A_1156 : vector<16xf32>
      %mul3A_1158 = vector.broadcast %squeeze3A_405 : f32 to vector<16xf32>
      %mul3A_1159 = arith.mulf %max3A_513, %mul3A_1158 : vector<16xf32>
      %add3A_1160 = arith.addf %add3A_1157, %mul3A_1159 : vector<16xf32>
      %mul3A_1161 = vector.broadcast %squeeze3A_407 : f32 to vector<16xf32>
      %mul3A_1162 = arith.mulf %max3A_520, %mul3A_1161 : vector<16xf32>
      %add3A_1163 = arith.addf %add3A_1160, %mul3A_1162 : vector<16xf32>
      %mul3A_1164 = vector.broadcast %squeeze3A_409 : f32 to vector<16xf32>
      %mul3A_1165 = arith.mulf %max3A_527, %mul3A_1164 : vector<16xf32>
      %add3A_1166 = arith.addf %add3A_1163, %mul3A_1165 : vector<16xf32>
      %mul3A_1167 = vector.broadcast %squeeze3A_411 : f32 to vector<16xf32>
      %mul3A_1168 = arith.mulf %max3A_534, %mul3A_1167 : vector<16xf32>
      %add3A_1169 = arith.addf %add3A_1166, %mul3A_1168 : vector<16xf32>
      %mul3A_1170 = vector.broadcast %squeeze3A_413 : f32 to vector<16xf32>
      %mul3A_1171 = arith.mulf %max3A_541, %mul3A_1170 : vector<16xf32>
      %add3A_1172 = arith.addf %add3A_1169, %mul3A_1171 : vector<16xf32>
      %mul3A_1173 = vector.broadcast %squeeze3A_415 : f32 to vector<16xf32>
      %mul3A_1174 = arith.mulf %max3A_548, %mul3A_1173 : vector<16xf32>
      %add3A_1175 = arith.addf %add3A_1172, %mul3A_1174 : vector<16xf32>
      %mul3A_1176 = vector.broadcast %squeeze3A_417 : f32 to vector<16xf32>
      %mul3A_1177 = arith.mulf %max3A_555, %mul3A_1176 : vector<16xf32>
      %add3A_1178 = arith.addf %add3A_1175, %mul3A_1177 : vector<16xf32>
      %mul3A_1179 = arith.constant 16 : i32
      %mul3A_1180 = arith.muli %scan3A_423, %mul3A_1179 : i32
      %swap3A_1181 = arith.constant 9 : i32
      %swap3A_1182 = arith.index_cast %swap3A_1181 : i32 to index
      %swap3A_1183 = arith.index_cast %mul3A_1180 : i32 to index
      %swap3A_1184 = tpu.vector_load %arg19[%swap3A_1182, %swap3A_1183] {strides = array<i32>} : memref<10x512xf32, #tpu.memory_space<vmem>>, vector<16xf32>,
      tpu.vector_store %arg19[%swap3A_1182, %swap3A_1183], %add3A_1178 {strides = array<i32>} : memref<10x512xf32, #tpu.memory_space<vmem>>, vector<16xf32>,
    }
    %scan3A_422 = arith.constant 32 : i32
    "tpu.region"() ({
      %run_scoped3A = tpu.sem_alloc : memref<!tpu.dma_semaphore, #tpu.memory_space<semaphore_mem>>
      %dma_start3A_423 = arith.constant 0 : i32
      %dma_start3A_424 = tpu.memref_slice %arg10[%dma_start3A_423, %mul3A_2] : memref<10x16384xf32, #tpu.memory_space<hbm>> -> memref<10x512xf32, #tpu.memory_space<hbm>>
      %dma_start3A_425 = arith.constant 0 : i32
      %dma_start3A_426 = tpu.memref_slice %arg10[%dma_start3A_425, %mul3A_2] : memref<10x16384xf32, #tpu.memory_space<hbm>> -> memref<10x512xf32, #tpu.memory_space<hbm>>
      tpu.enqueue_dma source(%arg19 : memref<10x512xf32, #tpu.memory_space<vmem>>) target(%dma_start3A_426 : memref<10x512xf32, #tpu.memory_space<hbm>>) target_semaphore(%run_scoped3A : memref<!tpu.dma_semaphore, #tpu.memory_space<semaphore_mem>>)
      %dma_wait3A_427 = arith.constant 0 : i32
      %dma_wait3A_428 = tpu.memref_slice %arg10[%dma_wait3A_427, %mul3A_2] : memref<10x16384xf32, #tpu.memory_space<hbm>> -> memref<10x512xf32, #tpu.memory_space<hbm>>
      %dma_wait3A_429 = arith.constant 0 : i32
      %dma_wait3A_430 = tpu.memref_slice %arg10[%dma_wait3A_429, %mul3A_2] : memref<10x16384xf32, #tpu.memory_space<hbm>> -> memref<10x512xf32, #tpu.memory_space<hbm>>
      tpu.wait_dma2 semaphore(%run_scoped3A : memref<!tpu.dma_semaphore, #tpu.memory_space<semaphore_mem>>) src(%arg19 : memref<10x512xf32, #tpu.memory_space<vmem>>) dst(%dma_wait3A_430 : memref<10x512xf32, #tpu.memory_space<hbm>>)
      tpu.yield
    }) : () -> ()
    return
  }
}

module attributes {stable_mosaic.version = 14 : i64} {
  func.func @_detile_body(%arg0: i32, %arg1: memref<16x8192xf32, #tpu.memory_space<vmem>>, %arg2: memref<1024x128xf32, #tpu.memory_space<vmem>>) attributes {dimension_semantics = [#tpu.dimension_semantics<arbitrary>], iteration_bounds = array<i64: 123>, scalar_prefetch = 0 : i64, scratch_operands = 0 : i64, tpu.core_type = #tpu.core_type<tc>, window_params = [{transform_indices = @transform_0, window_bounds = array<i64: 16, 8192>}, {transform_indices = @transform_1, window_bounds = array<i64: 1024, 128>}]} {
    %get3A = arith.constant 0 : index
    %get3A_0 = arith.constant 0 : index
    %get3A_1 = vector.load %arg1[%get3A, %get3A_0] : memref<16x8192xf32, #tpu.memory_space<vmem>>, vector<16x8192xf32>
    %iota3A = tpu.iota {dimensions = array<i32: 0>} : vector<16x128xi32>
    %iota3A_2 = tpu.iota {dimensions = array<i32: 1>} : vector<16x128xi32>
    %slice3A = vector.extract_strided_slice %get3A_1 {offsets = [0, 0], sizes = [16, 1024], strides = [1, 1]} : vector<16x8192xf32> to vector<16x1024xf32>
    %add3A = arith.constant 0 : i32
    %add3A_3 = vector.broadcast %add3A : i32 to vector<16x128xi32>
    %add3A_4 = arith.addi %iota3A, %add3A_3 : vector<16x128xi32>
    %eq3A = arith.cmpi eq, %iota3A_2, %add3A_4 : vector<16x128xi32>
    %convert_element_type3A = arith.extui %eq3A : vector<16x128xi1> to vector<16x128xi32>
    %convert_element_type3A_5 = arith.sitofp %convert_element_type3A : vector<16x128xi32> to vector<16x128xf32>
    %dot_general3A = arith.constant dense<0.000000e+00> : vector<1024x128xf32>
    %dot_general3A_6 = tpu.matmul %slice3A, %convert_element_type3A_5, %dot_general3A {dimension_numbers = #tpu.dot_dimension_numbers<[0], [0], [1], [1], [0, 1, 1, 1], [], []>, transpose_lhs_hint = false} : vector<16x1024xf32>, vector<16x128xf32>, vector<1024x128xf32> -> vector<1024x128xf32>
    %slice3A_7 = vector.extract_strided_slice %get3A_1 {offsets = [0, 1024], sizes = [16, 1024], strides = [1, 1]} : vector<16x8192xf32> to vector<16x1024xf32>
    %add3A_8 = arith.constant 16 : i32
    %add3A_9 = vector.broadcast %add3A_8 : i32 to vector<16x128xi32>
    %add3A_10 = arith.addi %iota3A, %add3A_9 : vector<16x128xi32>
    %eq3A_11 = arith.cmpi eq, %iota3A_2, %add3A_10 : vector<16x128xi32>
    %convert_element_type3A_12 = arith.extui %eq3A_11 : vector<16x128xi1> to vector<16x128xi32>
    %convert_element_type3A_13 = arith.sitofp %convert_element_type3A_12 : vector<16x128xi32> to vector<16x128xf32>
    %dot_general3A_14 = arith.constant dense<0.000000e+00> : vector<1024x128xf32>
    %dot_general3A_15 = tpu.matmul %slice3A_7, %convert_element_type3A_13, %dot_general3A_14 {dimension_numbers = #tpu.dot_dimension_numbers<[0], [0], [1], [1], [0, 1, 1, 1], [], []>, transpose_lhs_hint = false} : vector<16x1024xf32>, vector<16x128xf32>, vector<1024x128xf32> -> vector<1024x128xf32>
    %add3A_16 = arith.addf %dot_general3A_6, %dot_general3A_15 : vector<1024x128xf32>
    %slice3A_17 = vector.extract_strided_slice %get3A_1 {offsets = [0, 2048], sizes = [16, 1024], strides = [1, 1]} : vector<16x8192xf32> to vector<16x1024xf32>
    %add3A_18 = arith.constant 32 : i32
    %add3A_19 = vector.broadcast %add3A_18 : i32 to vector<16x128xi32>
    %add3A_20 = arith.addi %iota3A, %add3A_19 : vector<16x128xi32>
    %eq3A_21 = arith.cmpi eq, %iota3A_2, %add3A_20 : vector<16x128xi32>
    %convert_element_type3A_22 = arith.extui %eq3A_21 : vector<16x128xi1> to vector<16x128xi32>
    %convert_element_type3A_23 = arith.sitofp %convert_element_type3A_22 : vector<16x128xi32> to vector<16x128xf32>
    %dot_general3A_24 = arith.constant dense<0.000000e+00> : vector<1024x128xf32>
    %dot_general3A_25 = tpu.matmul %slice3A_17, %convert_element_type3A_23, %dot_general3A_24 {dimension_numbers = #tpu.dot_dimension_numbers<[0], [0], [1], [1], [0, 1, 1, 1], [], []>, transpose_lhs_hint = false} : vector<16x1024xf32>, vector<16x128xf32>, vector<1024x128xf32> -> vector<1024x128xf32>
    %add3A_26 = arith.addf %add3A_16, %dot_general3A_25 : vector<1024x128xf32>
    %slice3A_27 = vector.extract_strided_slice %get3A_1 {offsets = [0, 3072], sizes = [16, 1024], strides = [1, 1]} : vector<16x8192xf32> to vector<16x1024xf32>
    %add3A_28 = arith.constant 48 : i32
    %add3A_29 = vector.broadcast %add3A_28 : i32 to vector<16x128xi32>
    %add3A_30 = arith.addi %iota3A, %add3A_29 : vector<16x128xi32>
    %eq3A_31 = arith.cmpi eq, %iota3A_2, %add3A_30 : vector<16x128xi32>
    %convert_element_type3A_32 = arith.extui %eq3A_31 : vector<16x128xi1> to vector<16x128xi32>
    %convert_element_type3A_33 = arith.sitofp %convert_element_type3A_32 : vector<16x128xi32> to vector<16x128xf32>
    %dot_general3A_34 = arith.constant dense<0.000000e+00> : vector<1024x128xf32>
    %dot_general3A_35 = tpu.matmul %slice3A_27, %convert_element_type3A_33, %dot_general3A_34 {dimension_numbers = #tpu.dot_dimension_numbers<[0], [0], [1], [1], [0, 1, 1, 1], [], []>, transpose_lhs_hint = false} : vector<16x1024xf32>, vector<16x128xf32>, vector<1024x128xf32> -> vector<1024x128xf32>
    %add3A_36 = arith.addf %add3A_26, %dot_general3A_35 : vector<1024x128xf32>
    %slice3A_37 = vector.extract_strided_slice %get3A_1 {offsets = [0, 4096], sizes = [16, 1024], strides = [1, 1]} : vector<16x8192xf32> to vector<16x1024xf32>
    %add3A_38 = arith.constant 64 : i32
    %add3A_39 = vector.broadcast %add3A_38 : i32 to vector<16x128xi32>
    %add3A_40 = arith.addi %iota3A, %add3A_39 : vector<16x128xi32>
    %eq3A_41 = arith.cmpi eq, %iota3A_2, %add3A_40 : vector<16x128xi32>
    %convert_element_type3A_42 = arith.extui %eq3A_41 : vector<16x128xi1> to vector<16x128xi32>
    %convert_element_type3A_43 = arith.sitofp %convert_element_type3A_42 : vector<16x128xi32> to vector<16x128xf32>
    %dot_general3A_44 = arith.constant dense<0.000000e+00> : vector<1024x128xf32>
    %dot_general3A_45 = tpu.matmul %slice3A_37, %convert_element_type3A_43, %dot_general3A_44 {dimension_numbers = #tpu.dot_dimension_numbers<[0], [0], [1], [1], [0, 1, 1, 1], [], []>, transpose_lhs_hint = false} : vector<16x1024xf32>, vector<16x128xf32>, vector<1024x128xf32> -> vector<1024x128xf32>
    %add3A_46 = arith.addf %add3A_36, %dot_general3A_45 : vector<1024x128xf32>
    %slice3A_47 = vector.extract_strided_slice %get3A_1 {offsets = [0, 5120], sizes = [16, 1024], strides = [1, 1]} : vector<16x8192xf32> to vector<16x1024xf32>
    %add3A_48 = arith.constant 80 : i32
    %add3A_49 = vector.broadcast %add3A_48 : i32 to vector<16x128xi32>
    %add3A_50 = arith.addi %iota3A, %add3A_49 : vector<16x128xi32>
    %eq3A_51 = arith.cmpi eq, %iota3A_2, %add3A_50 : vector<16x128xi32>
    %convert_element_type3A_52 = arith.extui %eq3A_51 : vector<16x128xi1> to vector<16x128xi32>
    %convert_element_type3A_53 = arith.sitofp %convert_element_type3A_52 : vector<16x128xi32> to vector<16x128xf32>
    %dot_general3A_54 = arith.constant dense<0.000000e+00> : vector<1024x128xf32>
    %dot_general3A_55 = tpu.matmul %slice3A_47, %convert_element_type3A_53, %dot_general3A_54 {dimension_numbers = #tpu.dot_dimension_numbers<[0], [0], [1], [1], [0, 1, 1, 1], [], []>, transpose_lhs_hint = false} : vector<16x1024xf32>, vector<16x128xf32>, vector<1024x128xf32> -> vector<1024x128xf32>
    %add3A_56 = arith.addf %add3A_46, %dot_general3A_55 : vector<1024x128xf32>
    %slice3A_57 = vector.extract_strided_slice %get3A_1 {offsets = [0, 6144], sizes = [16, 1024], strides = [1, 1]} : vector<16x8192xf32> to vector<16x1024xf32>
    %add3A_58 = arith.constant 96 : i32
    %add3A_59 = vector.broadcast %add3A_58 : i32 to vector<16x128xi32>
    %add3A_60 = arith.addi %iota3A, %add3A_59 : vector<16x128xi32>
    %eq3A_61 = arith.cmpi eq, %iota3A_2, %add3A_60 : vector<16x128xi32>
    %convert_element_type3A_62 = arith.extui %eq3A_61 : vector<16x128xi1> to vector<16x128xi32>
    %convert_element_type3A_63 = arith.sitofp %convert_element_type3A_62 : vector<16x128xi32> to vector<16x128xf32>
    %dot_general3A_64 = arith.constant dense<0.000000e+00> : vector<1024x128xf32>
    %dot_general3A_65 = tpu.matmul %slice3A_57, %convert_element_type3A_63, %dot_general3A_64 {dimension_numbers = #tpu.dot_dimension_numbers<[0], [0], [1], [1], [0, 1, 1, 1], [], []>, transpose_lhs_hint = false} : vector<16x1024xf32>, vector<16x128xf32>, vector<1024x128xf32> -> vector<1024x128xf32>
    %add3A_66 = arith.addf %add3A_56, %dot_general3A_65 : vector<1024x128xf32>
    %slice3A_67 = vector.extract_strided_slice %get3A_1 {offsets = [0, 7168], sizes = [16, 1024], strides = [1, 1]} : vector<16x8192xf32> to vector<16x1024xf32>
    %add3A_68 = arith.constant 112 : i32
    %add3A_69 = vector.broadcast %add3A_68 : i32 to vector<16x128xi32>
    %add3A_70 = arith.addi %iota3A, %add3A_69 : vector<16x128xi32>
    %eq3A_71 = arith.cmpi eq, %iota3A_2, %add3A_70 : vector<16x128xi32>
    %convert_element_type3A_72 = arith.extui %eq3A_71 : vector<16x128xi1> to vector<16x128xi32>
    %convert_element_type3A_73 = arith.sitofp %convert_element_type3A_72 : vector<16x128xi32> to vector<16x128xf32>
    %dot_general3A_74 = arith.constant dense<0.000000e+00> : vector<1024x128xf32>
    %dot_general3A_75 = tpu.matmul %slice3A_67, %convert_element_type3A_73, %dot_general3A_74 {dimension_numbers = #tpu.dot_dimension_numbers<[0], [0], [1], [1], [0, 1, 1, 1], [], []>, transpose_lhs_hint = false} : vector<16x1024xf32>, vector<16x128xf32>, vector<1024x128xf32> -> vector<1024x128xf32>
    %add3A_76 = arith.addf %add3A_66, %dot_general3A_75 : vector<1024x128xf32>
    %swap3A = arith.constant 0 : index
    %swap3A_77 = arith.constant 0 : index
    %swap3A_78 = vector.load %arg2[%swap3A, %swap3A_77] : memref<1024x128xf32, #tpu.memory_space<vmem>>, vector<1024x128xf32>
    tpu.vector_store %arg2[%swap3A, %swap3A_77], %add3A_76 {strides = array<i32>} : memref<1024x128xf32, #tpu.memory_space<vmem>>, vector<1024x128xf32>,
    return
  }
  func.func @transform_0(%arg0: i32) -> (i32, i32) {
    %c0_i32 = arith.constant 0 : i32
    %c0_i32_0 = arith.constant 0 : i32
    return %c0_i32, %arg0 : i32, i32
  }
  func.func @transform_1(%arg0: i32) -> (i32, i32) {
    %c0_i32 = arith.constant 0 : i32
    %c0_i32_0 = arith.constant 0 : i32
    return %arg0, %c0_i32 : i32, i32
  }
}

</mosaic_0001>

<sc_bundles>
// kernel: kernel.4.cloned.1.call-start
scs
__scs_entry_jumppad:
0x0: {  	(pc) =	sbr.rel $0x88, $3  }
0x1: {  	(tag) =	ssettag $0x0;
	lr =	simm.s32 $0x1  }
0x2: {  	[smem:$0x3F9B] =	sst lr;
	_ =	strace $0xD0000000  }
0x3: {  	_ = 	snop  }
0x4: {  	_ = 	snop  }
0x5: {  	_ = 	snop  }
0x6: {  	_ = 	snop  }
0x7: {  	_ = 	snop  }
__scs_overlays_trampoline_lowered:
0x8: {  	[smem:$0x3FAA] =	sst s0  }
0x9: {  	[smem:$0x3FAB] =	sst s1  }
0xa: {  	[smem:$0x3FAC] =	sst s2  }
0xb: {  	[smem:$0x3FAD] =	sst s3  }
0xc: {  	[smem:$0x3FAE] =	sst s4  }
0xd: {  	[smem:$0x3FAF] =	sst s5  }
0xe: {  	[smem:$0x3FB0] =	sst s6  }
0xf: {  	[smem:$0x3FB1] =	sst s7  }
0x10: {  	[smem:$0x3FB2] =	sst s8  }
0x11: {  	[smem:$0x3FB3] =	sst s9;
	s0 =	simm.s32 @!p0 $0x0  }
0x12: {  	s1 =	sld [smem:$0x3F99];
	s0 =	simm.s32 @p0 $0x1  }
0x13: {  	[smem:$0x3FB4] =	sst s0;
	s0 =	simm.s32 @!p1 $0x0  }
0x14: {  	s2 =	sld [smem:$0x3F98];
	s0 =	simm.s32 @p1 $0x1  }
0x15: {  	[smem:$0x3FB5] =	sst s0;
	s0 =	simm.s32 @!p2 $0x0  }
0x16: {  	s3 =	sld [smem:$0x3FDB];
	s0 =	simm.s32 @p2 $0x1  }
0x17: {  	s4 =	simm.s32 $0x1BF5;
	[smem:$0x3FB7] =	sst s0  }
0x18: {  	s0 =	sld [smem:$0x3F9A];
	_ =	swait.ge [sflag:s4], $0x0  }
0x19: {  	s7 =	sld [smem:$0x3F9B]  }
0x1a: {  	s8 =	sadd.s32 $0xFFFFE003, lr  }
0x1b: {  	s9 =	sadd.s32 $0xFFFFFEF7, lr;
	s5 =	simm.s32 $0xFFFFFFFF;
	p2 =	slt.u32 s8, $0xFFFFF086  }
0x1c: {  	p1 =	slt.u32 s9, $0xF7A;
	s5 =	simm.s32 @!p2 $0x0  }
0x1d: {  	s5 =	simm.s32 @p1 $0x1;
	p0 =	seq.s32 s7, s2  }
0x1e: {  	s7 =	smul.u32 @!p0 $0xF7A, s2;
	p2 =	seq.s32 @!p0 s5, $0x0  }
0x1f: {  	s9 =	smul.u32 $0xF7A, s1;
	s8 =	simm.s32 @!p0 $0x1BF5;
	p2 =	por !p2, p0  }
0x20: {  	[sflag:s8] =	ssyncset.s32 @!p0 $0xFFFFF086;
	s6 =	sadd.s32 @!p0 s3, s7;
	s7 =	simm.s32 @!p0 $0x108  }
0x21: {  	s3 =	sadd.s32 s3, s9;
	s6 =	sadd.s32 @!p0 $0x88, s6;
	s7 =	simm.s32 @p2 $0x1082  }
0x22: {  	[simem:s7], [sflag:s8] =	dma.local @!p0 [hbm:s6], $0xF7A  }
0x23: {  	s9 =	sor.u32 $0xD0000000, s2;
	s6 =	simm.s32 $0x108;
	_ =	swait.ge @!p0 [sflag:s8], $0x0  }
0x24: {  	s3 =	sadd.s32 $0x88, s3;
	s6 =	simm.s32 @!p1 $0x1082;
	[sflag:s4] =	ssyncset.s32 $0xFFFFF086  }
0x25: {  	[simem:s6], [sflag:s4] =	dma.local [hbm:s3], $0xF7A  }
0x26: {  	[smem:$0x3F9B] =	sst s1;
	(tag) =	ssettag s2;
	_ =	strace s9  }
0x27: {  	s1 =	sld [smem:$0x3FAB]  }
0x28: {  	s2 =	sld [smem:$0x3FAC]  }
0x29: {  	s4 =	sld [smem:$0x3FAE]  }
0x2a: {  	p0 =	seq.s32 s5, $0x0;
	s5 =	sld [smem:$0x3FAF]  }
0x2b: {  	s6 =	sld [smem:$0x3FB0]  }
0x2c: {  	s7 =	sld [smem:$0x3FB1]  }
0x2d: {  	s3 =	simm.s32 $0x108;
	s8 =	sld [smem:$0x3FB2]  }
0x2e: {  	s3 =	simm.s32 @!p0 $0x1082;
	s9 =	sld [smem:$0x3FB3]  }
0x2f: {  	lr =	sadd.s32 s0, s3;
	s0 =	sld [smem:$0x3FAA]  }
0x30: {  	s3 =	sld [smem:$0x3FAD]  }
0x31: {  	[smem:$0x3FB6] =	sst s10  }
0x32: {  	s10 =	sld [smem:$0x3FB4];
	_ =	sdelay $0x3  }
0x33: {  	p0 =	seq.s32 s10, $0x1;
	s10 =	sld [smem:$0x3FB6];
	_ =	sdelay $0x3  }
0x34: {  	[smem:$0x3FB6] =	sst s10  }
0x35: {  	s10 =	sld [smem:$0x3FB5];
	_ =	sdelay $0x3  }
0x36: {  	p1 =	seq.s32 s10, $0x1;
	s10 =	sld [smem:$0x3FB6];
	_ =	sdelay $0x3  }
0x37: {  	[smem:$0x3FB6] =	sst s10  }
0x38: {  	s10 =	sld [smem:$0x3FB7]  }
0x39: {  	_ = 	snop;
	(pc) =	sbr.ind lr, $3  }
0x3a: {  	_ = 	snop  }
0x3b: {  	_ = 	snop  }
0x3c: {  	p2 =	seq.s32 s10, $0x1;
	s10 =	sld [smem:$0x3FB6]  }
0x3d: {  	_ =	shalt  }
0x3e: {  	_ =	shalt  }
0x3f: {  	_ =	shalt  }
0x40: {  	_ =	shalt  }
0x41: {  	_ =	shalt  }
0x42: {  	_ =	shalt  }
0x43: {  	_ =	shalt  }
0x44: {  	_ =	shalt  }
0x45: {  	_ =	shalt  }
0x46: {  	_ =	shalt  }
0x47: {  	_ =	shalt  }
0x48: {  	_ =	shalt  }
0x49: {  	_ =	shalt  }
0x4a: {  	_ =	shalt  }
0x4b: {  	_ =	shalt  }
0x4c: {  	_ =	shalt  }
0x4d: {  	_ =	shalt  }
0x4e: {  	_ =	shalt  }
0x4f: {  	_ =	shalt  }
0x50: {  	_ =	shalt  }
0x51: {  	_ =	shalt  }
0x52: {  	_ =	shalt  }
0x53: {  	_ =	shalt  }
0x54: {  	_ =	shalt  }
0x55: {  	_ =	shalt  }
0x56: {  	_ =	shalt  }
0x57: {  	_ =	shalt  }
0x58: {  	_ =	shalt  }
0x59: {  	_ =	shalt  }
0x5a: {  	_ =	shalt  }
0x5b: {  	_ =	shalt  }
0x5c: {  	_ =	shalt  }
0x5d: {  	_ =	shalt  }
0x5e: {  	_ =	shalt  }
0x5f: {  	_ =	shalt  }
0x60: {  	_ =	shalt  }
0x61: {  	_ =	shalt  }
0x62: {  	_ =	shalt  }
0x63: {  	_ =	shalt  }
0x64: {  	_ =	shalt  }
0x65: {  	_ =	shalt  }
0x66: {  	_ =	shalt  }
0x67: {  	_ =	shalt  }
0x68: {  	_ =	shalt  }
0x69: {  	_ =	shalt  }
0x6a: {  	_ =	shalt  }
0x6b: {  	_ =	shalt  }
0x6c: {  	_ =	shalt  }
0x6d: {  	_ =	shalt  }
0x6e: {  	_ =	shalt  }
0x6f: {  	_ =	shalt  }
0x70: {  	_ =	shalt  }
0x71: {  	_ =	shalt  }
0x72: {  	_ =	shalt  }
0x73: {  	_ =	shalt  }
0x74: {  	_ =	shalt  }
0x75: {  	_ =	shalt  }
0x76: {  	_ =	shalt  }
0x77: {  	_ =	shalt  }
0x78: {  	_ =	shalt  }
0x79: {  	_ =	shalt  }
0x7a: {  	_ =	shalt  }
0x7b: {  	_ =	shalt  }
0x7c: {  	_ =	shalt  }
0x7d: {  	_ =	shalt  }
0x7e: {  	_ =	shalt  }
0x7f: {  	_ =	shalt  }
0x80: {  	_ =	shalt  }
0x81: {  	_ =	shalt  }
0x82: {  	_ =	shalt  }
0x83: {  	_ =	shalt  }
0x84: {  	_ =	shalt  }
0x85: {  	_ =	shalt  }
0x86: {  	_ =	shalt  }
0x87: {  	_ =	shalt  }
.Lfunc_end0:
.L_simem_size_0:
called_computation_lowered:
.L_overlay_start_0:
0x88: {  	s2 =	sld [smem:$0x3FD9]  }
0x89: {  	s3 =	sld [smem:$0x3FFE];
	_ =	sdelay $0x1  }
0x8a: {  	s1 =	srdreg.scid  }
0x8b: {  	s0 =	sand.u32 $0x1, s1  }
0x8c: {  	s17 =	sshll.u32 s0, $0xA;
	s2 =	sadd.s32 s3, s2  }
0x8d: {  	s2 =	sadd.s32 s2, s17  }
0x8e: {  	[smem:$0x3FC2] =	sst s2  }
0x8f: {  	_ = 	snop  }
0x90: {  	s2 =	sld [smem:$0x3FD0];
	(tm) =	ssettm $0x1  }
0x91: {  	s18 =	sld [smem:$0x3FFB];
	_ =	sdelay $0x3  }
0x92: {  	_ =	strace s18  }
0x93: {  	s3 =	sld [smem:$0x3FFC];
	_ =	sdelay $0x3  }
0x94: {  	_ =	strace s3  }
0x95: {  	s3 =	sld [smem:$0x3FFD];
	_ =	sdelay $0x3  }
0x96: {  	_ =	strace s3  }
0x97: {  	_ =	strace $0x8FFFFFFF  }
0x98: {  	s19 =	sld [smem:$0x3FDB];
	_ =	sdelay $0x1  }
0x99: {  	s4 =	simm.s32 $_scs_section_size  }
0x9a: {  	s5 =	simm.s32 $_size__tile_overlayer_lowered;
	s6 =	simm.s32 $_tile_overlayer_lowered  }
0x9b: {  	s22 =	simm.s32 $0x1BFF;
	s21 =	sshll.u32 s6, $0x1;
	s3 =	sadd.s32 s4, s19  }
0x9c: {  	s7 =	simm.s32 $0x0;
	s20 =	sshll.u32 s5, $0x1;
	s5 =	sadd.s32 s21, s3  }
0x9d: {  	[timem:s7], [sflag:s22] =	dma.local [hbm:s5], s20  }
0x9e: {  	_ =	swait.ge [sflag:s22], s20  }
0x9f: {  	s4 =	ssub.s32 $0x0, s20;
	[sflag:s22] =	ssyncset.done $0x0  }
0xa0: {  	[sflag:s22] =	ssyncadd.s32 s4;
	_ =	sdelay $0x1  }
0xa1: {  	s23 =	simm.s32 $0x1B8B  }
0xa2: {  	_ =	swait.ge [sflag:s23], $0x1  }
0xa3: {  	[sflag:s23] =	ssyncset.done $0x0  }
0xa4: {  	s25 =	simm.s32 $0x1B8E;
	s24 =	sld [smem:$0x3FFE];
	[sflag:s23] =	ssyncadd.s32 $0xFFFFFFFF  }
0xa5: {  	s26 =	simm.s32 $execute0_lowered;
	[smem:$0x3FD2] =	sst s25  }
0xa6: {  	s5 =	sshll.u32 s26, $0x1;
	_ =	strace $0x80000046;
	[dreg:$0x1] =	wrdreg $0xFFFFFFFF  }
0xa7: {  	s28 =	simm.s32 $_size_execute0_lowered;
	s3 =	sadd.s32 s3, s5;
	[dreg:$0x0] =	wrdreg $0x0  }
0xa8: {  	s5 =	sshll.u32 s28, $0x1;
	[dreg:$0x2] =	wrdreg s3  }
0xa9: {  	[dreg:$0x3] =	wrdreg s5  }
0xaa: {  	[dreg:$0x4] =	wrdreg $0xC0  }
0xab: {  	_ =	task [dreg:s7], $0x5FFFF  }
0xac: {  	[dreg:$0x1] =	wrdreg $0xFFFFFFFF  }
0xad: {  	[dreg:$0x0] =	wrdreg $0x60  }
0xae: {  	[dreg:$0x2] =	wrdreg s24  }
0xaf: {  	[dreg:$0x3] =	wrdreg s2  }
0xb0: {  	[dreg:$0x4] =	wrdreg $0x9  }
0xb1: {  	_ =	task.clear_ibuf [dreg:s7], $0x5FFFF;
	_ =	strace $0x90000046  }
0xb2: {  	s29 =	simm.s32 $0x9;
	_ =	strace $0x80000048  }
0xb3: {  	_ =	swait.ge [sflag:s29], $0x1  }
0xb4: {  	[sflag:s29] =	ssyncadd.s32 $0xFFFFFFFF  }
0xb5: {  	_ =	strace $0x90000048  }
0xb6: {  	_ =	sfence  }
0xb7: {  	s30 =	sld [smem:$0x0];
	_ =	sdelay $0x2  }
0xb8: {  	s31 =	sshll.u32 s1, $0xD;
	s1 =	sshrl.u32 s1, $0x2  }
0xb9: {  	s3 =	sand.u32 $0x4000, s31;
	s1 =	sadd.s32 s1, s30  }
0xba: {  	s0 =	sor.u32 s3, s0;
	s1 =	sshll.u32 s1, $0x11  }
0xbb: {  	s0 =	sor.u32 s1, s0  }
0xbc: {  	s0 =	sadd.s32 $0x8F2B, s0  }
0xbd: {  	[sflag:s0] =	ssyncadd.remote.s32 $0x1  }
0xbe: {  	_ =	sfence.sel $0xFFFF  }
0xbf: {  	[dreg:$0x0] =	wrdreg $0xFFFFFFFF;
	(pc) =	sbr.abs _section_cstart, $3  }
0xc0: {  	[dreg:$0x1] =	wrdreg $0xFFFFFFFF  }
0xc1: {  	_ =	task.clear_ibuf [dreg:s7], $0x2FFFF;
	_ =	strace $0x9FFFFFFF  }
0xc2: {  	(tm) =	ssettm $0x7FFFFFFF  }
0xc3: {  	_ =	shalt  }
tec
execute0_lowered:
.L_overlay_start_1:
0x0: {  	(tag) =	ssettag $0x1  }
0x1: {  	s0 =	srdreg.scid  }
0x2: {  	s1 =	stileid.u32;
	s6 =	rddreg [dreg:$0x0]  }
0x3: {  	s12 =	rddreg [dreg:$0x1];
	s13 =	simm.s32 $0x2;
	s14 =	simm.s32 $0x80  }
0x4: {  	s15 =	simm.s32 $0x200;
	s20 =	simm.s32 $0xC200;
	s21 =	simm.s32 $0x400  }
0x5: {  	s22 =	simm.s32 $0x10800;
	s23 =	simm.s32 $0x10900;
	s24 =	simm.s32 $0x10980  }
0x6: {  	s25 =	simm.s32 $0x1;
	s26 =	simm.s32 $0x1000;
	s28 =	simm.s32 $0x20000  }
0x7: {  	s29 =	simm.s32 $0x10A80;
	s0 =	sand.u32 $0x1, s0;
	s1 =	sshll.u32 s1, $0x1  }
0x8: {  	s30 =	simm.s32 $0x0;
	s5 =	sadd.s32 $0x800, s6;
	s1 =	sor.u32 s0, s1  }
0x9: {  	s0 =	ssub.s32 $0x2, s0;
	s11 =	sshll.u32 s1, $0x9;
	s2 =	sshll.u32 s1, $0x7  }
0xa: {  	s1 =	sshll.u32 s1, $0x6;
	s7 =	sshrl.u32 s0, $0x1;
	s3 =	sand.u32 $0x3000, s11  }
0xb: {  	s4 =	sand.u32 $0x380, s2;
	s2 =	simm.s32 $0x0;
	s1 =	sadd.s32 s1, s6  }
0xc: {  	s0 =	ssub.s32 s0, s7;
	s11 =	sadd.s32 s12, s11;
	s3 =	sor.u32 s4, s3  }
0xd: {  	[smem:$0x7FF] =	sst s2;
	s4 =	sadd.s32 $0x600, s6;
	s7 =	sadd.s32 $0x1C00, s1  }
0xe: {  	s12 =	smax.u32 s0, $0x1;
	s3 =	sshrl.u32 s3, $0x3;
	_ =	strace $0x80000047  }
0xf: {  	v0 =	vlaneseq.u32;
	s10 =	sadd.s32 s3, s6;
	s3 =	sadd.s32 $0x2C00, s6;
	s6 =	sadd.s32 $0xA00, s6  }
0x10: {  	v56 =	vmul.u32 $0x80, v0;
	s8 =	sadd.s32 $0x2400, s10;
	s9 =	sadd.s32 $0xC00, s10;
	s10 =	sadd.s32 $0x1400, s10  }
.LBB2_1:
0x11: {  	[tilespmem:s2], [sflag:$0x2] =	stream.linear.gather [hbm4b:s7+s2], $0x200, $0x38;
	[tilespmem:$0x12A80] =	vst v63  }
0x12: {  	_ =	swait.ge [sflag:s13], $0x200  }
0x13: {  	[sflag:s13] =	ssyncset.done $0x0  }
0x14: {  	[sflag:s13] =	ssyncadd.s32 $0xFFFFFE00  }
0x15: {  	[tilespmem:s15], [sflag:$0x1] =	stream.indirect.gather [hbm4b:s3+s14], $0x80, s2, s14, $0xb8;
	[tilespmem:$0x12A80] =	vst v63  }
0x16: {  	s0 =	simm.s32 $0x4200  }
0x17: {  	[tilespmem:s0], [sflag:$0x1] =	stream.indirect.gather [hbm4b:s3+s14], $0x80, s14, s14, $0xb8;
	[tilespmem:$0x12A80] =	vst v63  }
0x18: {  	s18 =	simm.s32 $0x100;
	s1 =	simm.s32 $0x8200  }
0x19: {  	[tilespmem:s1], [sflag:$0x1] =	stream.indirect.gather [hbm4b:s3+s14], $0x80, s18, s14, $0xb8;
	[tilespmem:$0x12A80] =	vst v63  }
0x1a: {  	s19 =	simm.s32 $0x180  }
0x1b: {  	[tilespmem:s20], [sflag:$0x1] =	stream.indirect.gather [hbm4b:s3+s14], $0x80, s19, s14, $0xb8;
	[tilespmem:$0x12A80] =	vst v63  }
0x1c: {  	s31 =	simm.s32 $0x10200  }
0x1d: {  	[tilespmem:s31], [sflag:$0x2] =	stream.strided.gather [hbm4b:s8+s14], $0x200, s21, s14, $0x38;
	[tilespmem:$0x12A80] =	vst v63  }
0x1e: {  	_ =	swait.ge [sflag:s13], $0x200  }
0x1f: {  	[sflag:s13] =	ssyncset.done $0x0  }
0x20: {  	s1 =	simm.s32 $0x10400;
	[sflag:s13] =	ssyncadd.s32 $0xFFFFFE00  }
0x21: {  	[tilespmem:s1], [sflag:$0x2] =	stream.strided.gather [hbm4b:s9+s14], $0x200, s21, s14, $0x38;
	[tilespmem:$0x12A80] =	vst v63  }
0x22: {  	_ =	swait.ge [sflag:s13], $0x200  }
0x23: {  	[sflag:s13] =	ssyncset.done $0x0  }
0x24: {  	s0 =	simm.s32 $0x10600;
	[sflag:s13] =	ssyncadd.s32 $0xFFFFFE00  }
0x25: {  	[tilespmem:s0], [sflag:$0x2] =	stream.strided.gather [hbm4b:s10+s14], $0x200, s21, s14, $0x38;
	[tilespmem:$0x12A80] =	vst v63  }
0x26: {  	_ =	swait.ge [sflag:s13], $0x200  }
0x27: {  	[sflag:s13] =	ssyncset.done $0x0  }
0x28: {  	[sflag:s13] =	ssyncadd.s32 $0xFFFFFE00  }
0x29: {  	[tilespmem:s22], [sflag:$0x2] =	stream.linear.gather [hbm4b:s4+s2], $0x100, $0x38;
	[tilespmem:$0x12A80] =	vst v63  }
0x2a: {  	_ =	swait.ge [sflag:s13], $0x100  }
0x2b: {  	[sflag:s13] =	ssyncset.done $0x0  }
0x2c: {  	[sflag:s13] =	ssyncadd.s32 $0xFFFFFF00  }
0x2d: {  	[tilespmem:s23], [sflag:$0x2] =	stream.linear.gather [hbm4b:s5+s2], $0x80, $0x38;
	[tilespmem:$0x12A80] =	vst v63  }
0x2e: {  	_ =	swait.ge [sflag:s13], $0x80  }
0x2f: {  	[sflag:s13] =	ssyncset.done $0x0  }
0x30: {  	[sflag:s13] =	ssyncadd.s32 $0xFFFFFF80  }
0x31: {  	[tilespmem:s24], [sflag:$0x2] =	stream.linear.gather [hbm4b:s6+s2], $0x100, $0x38;
	[tilespmem:$0x12A80] =	vst v63  }
0x32: {  	_ =	swait.ge [sflag:s13], $0x100  }
0x33: {  	[sflag:s13] =	ssyncset.done $0x0  }
0x34: {  	[sflag:s13] =	ssyncadd.s32 $0xFFFFFF00  }
0x35: {  	_ =	swait.ge [sflag:s25], $0x4000  }
0x36: {  	[sflag:s25] =	ssyncset.done $0x0  }
0x37: {  	[sflag:s25] =	ssyncadd.s32 $0xFFFFC000  }
0x38: {  	_ =	swait.ge [sflag:s25], $0x4000  }
0x39: {  	[sflag:s25] =	ssyncset.done $0x0  }
0x3a: {  	[sflag:s25] =	ssyncadd.s32 $0xFFFFC000  }
0x3b: {  	_ =	swait.ge [sflag:s25], $0x4000  }
0x3c: {  	[sflag:s25] =	ssyncset.done $0x0  }
0x3d: {  	[sflag:s25] =	ssyncadd.s32 $0xFFFFC000  }
0x3e: {  	_ =	swait.ge [sflag:s25], $0x4000  }
0x3f: {  	[sflag:s25] =	ssyncset.done $0x0  }
0x40: {  	[sflag:s25] =	ssyncadd.s32 $0xFFFFC000  }
0x41: {  	v0 =	vld [tilespmem:$0x10800];
	_ =	sdelay $0x4  }
0x42: {  	v2 =	vbroadcast v0, $0x6  }
0x43: {  	v1 =	vbroadcast v0, $0x0  }
0x44: {  	[tilespmem:$0x1F8E0] =	vst v2;
	v2 =	vbroadcast v0, $0x7  }
0x45: {  	[tilespmem:$0x1F880] =	vst v1;
	v1 =	vbroadcast v0, $0x1  }
0x46: {  	[tilespmem:$0x1F8F0] =	vst v2;
	v2 =	vbroadcast v0, $0x8  }
0x47: {  	[tilespmem:$0x1F890] =	vst v1;
	v1 =	vbroadcast v0, $0x2  }
0x48: {  	[tilespmem:$0x1F900] =	vst v2;
	v2 =	vbroadcast v0, $0x9  }
0x49: {  	[tilespmem:$0x1F8A0] =	vst v1;
	v1 =	vbroadcast v0, $0x3  }
0x4a: {  	[tilespmem:$0x1F910] =	vst v2;
	v2 =	vbroadcast v0, $0xA  }
0x4b: {  	[tilespmem:$0x1F8B0] =	vst v1;
	v1 =	vbroadcast v0, $0x4  }
0x4c: {  	[tilespmem:$0x1F920] =	vst v2;
	v2 =	vbroadcast v0, $0xB  }
0x4d: {  	[tilespmem:$0x1F8C0] =	vst v1;
	v1 =	vbroadcast v0, $0x5  }
0x4e: {  	[tilespmem:$0x1F930] =	vst v2;
	v2 =	vbroadcast v0, $0xC  }
0x4f: {  	[tilespmem:$0x1F8D0] =	vst v1;
	v1 =	vld [tilespmem:$0x10810]  }
0x50: {  	[tilespmem:$0x1F940] =	vst v2;
	v2 =	vbroadcast v0, $0xD;
	_ =	sdelay $0x1  }
0x51: {  	[tilespmem:$0x1F950] =	vst v2;
	v2 =	vbroadcast v0, $0xE  }
0x52: {  	v0 =	vbroadcast v0, $0xF  }
0x53: {  	[tilespmem:$0x1F960] =	vst v2;
	v2 =	vbroadcast v1, $0x6  }
0x54: {  	[tilespmem:$0x1F970] =	vst v0;
	v0 =	vbroadcast v1, $0x0  }
0x55: {  	[tilespmem:$0x1F9E0] =	vst v2;
	v2 =	vbroadcast v1, $0x7  }
0x56: {  	[tilespmem:$0x1F980] =	vst v0;
	v0 =	vbroadcast v1, $0x1  }
0x57: {  	[tilespmem:$0x1F9F0] =	vst v2;
	v2 =	vbroadcast v1, $0x8  }
0x58: {  	[tilespmem:$0x1F990] =	vst v0;
	v0 =	vbroadcast v1, $0x2  }
0x59: {  	[tilespmem:$0x1FA00] =	vst v2;
	v2 =	vbroadcast v1, $0x9  }
0x5a: {  	[tilespmem:$0x1F9A0] =	vst v0;
	v0 =	vbroadcast v1, $0x3  }
0x5b: {  	[tilespmem:$0x1FA10] =	vst v2;
	v2 =	vbroadcast v1, $0xA  }
0x5c: {  	[tilespmem:$0x1F9B0] =	vst v0;
	v0 =	vbroadcast v1, $0x4  }
0x5d: {  	[tilespmem:$0x1FA20] =	vst v2;
	v2 =	vbroadcast v1, $0xB  }
0x5e: {  	[tilespmem:$0x1F9C0] =	vst v0;
	v0 =	vbroadcast v1, $0x5  }
0x5f: {  	[tilespmem:$0x1FA30] =	vst v2;
	v2 =	vbroadcast v1, $0xC  }
0x60: {  	[tilespmem:$0x1F9D0] =	vst v0;
	v0 =	vld [tilespmem:$0x10820]  }
0x61: {  	[tilespmem:$0x1FA40] =	vst v2;
	v2 =	vbroadcast v1, $0xD;
	_ =	sdelay $0x1  }
0x62: {  	[tilespmem:$0x1FA50] =	vst v2;
	v2 =	vbroadcast v1, $0xE  }
0x63: {  	v1 =	vbroadcast v1, $0xF  }
0x64: {  	[tilespmem:$0x1FA60] =	vst v2;
	v2 =	vbroadcast v0, $0x6  }
0x65: {  	[tilespmem:$0x1FA70] =	vst v1;
	v1 =	vbroadcast v0, $0x0  }
0x66: {  	[tilespmem:$0x1FAE0] =	vst v2;
	v2 =	vbroadcast v0, $0x7  }
0x67: {  	[tilespmem:$0x1FA80] =	vst v1;
	v1 =	vbroadcast v0, $0x1  }
0x68: {  	[tilespmem:$0x1FAF0] =	vst v2;
	v2 =	vbroadcast v0, $0x8  }
0x69: {  	[tilespmem:$0x1FA90] =	vst v1;
	v1 =	vbroadcast v0, $0x2  }
0x6a: {  	[tilespmem:$0x1FB00] =	vst v2;
	v2 =	vbroadcast v0, $0x9  }
0x6b: {  	[tilespmem:$0x1FAA0] =	vst v1;
	v1 =	vbroadcast v0, $0x3  }
0x6c: {  	[tilespmem:$0x1FB10] =	vst v2;
	v2 =	vbroadcast v0, $0xA  }
0x6d: {  	[tilespmem:$0x1FAB0] =	vst v1;
	v1 =	vbroadcast v0, $0x4  }
0x6e: {  	[tilespmem:$0x1FB20] =	vst v2;
	v2 =	vbroadcast v0, $0xB  }
0x6f: {  	[tilespmem:$0x1FAC0] =	vst v1;
	v1 =	vbroadcast v0, $0x5  }
0x70: {  	[tilespmem:$0x1FB30] =	vst v2;
	v2 =	vbroadcast v0, $0xC  }
0x71: {  	[tilespmem:$0x1FAD0] =	vst v1;
	v1 =	vld [tilespmem:$0x10830]  }
0x72: {  	[tilespmem:$0x1FB40] =	vst v2;
	v2 =	vbroadcast v0, $0xD;
	_ =	sdelay $0x1  }
0x73: {  	[tilespmem:$0x1FB50] =	vst v2;
	v2 =	vbroadcast v0, $0xE  }
0x74: {  	v0 =	vbroadcast v0, $0xF  }
0x75: {  	[tilespmem:$0x1FB60] =	vst v2;
	v2 =	vbroadcast v1, $0x6  }
0x76: {  	[tilespmem:$0x1FB70] =	vst v0;
	v0 =	vbroadcast v1, $0x0  }
0x77: {  	[tilespmem:$0x1FBE0] =	vst v2;
	v2 =	vbroadcast v1, $0x7  }
0x78: {  	[tilespmem:$0x1FB80] =	vst v0;
	v0 =	vbroadcast v1, $0x1  }
0x79: {  	[tilespmem:$0x1FBF0] =	vst v2;
	v2 =	vbroadcast v1, $0x8  }
0x7a: {  	[tilespmem:$0x1FB90] =	vst v0;
	v0 =	vbroadcast v1, $0x2  }
0x7b: {  	[tilespmem:$0x1FC00] =	vst v2;
	v2 =	vbroadcast v1, $0x9  }
0x7c: {  	[tilespmem:$0x1FBA0] =	vst v0;
	v0 =	vbroadcast v1, $0x3  }
0x7d: {  	[tilespmem:$0x1FC10] =	vst v2;
	v2 =	vbroadcast v1, $0xA  }
0x7e: {  	[tilespmem:$0x1FBB0] =	vst v0;
	v0 =	vbroadcast v1, $0x4  }
0x7f: {  	[tilespmem:$0x1FC20] =	vst v2;
	v2 =	vbroadcast v1, $0xB  }
0x80: {  	[tilespmem:$0x1FBC0] =	vst v0;
	v0 =	vbroadcast v1, $0x5  }
0x81: {  	[tilespmem:$0x1FC30] =	vst v2;
	v2 =	vbroadcast v1, $0xC  }
0x82: {  	[tilespmem:$0x1FBD0] =	vst v0;
	v0 =	vld [tilespmem:$0x10840]  }
0x83: {  	[tilespmem:$0x1FC40] =	vst v2;
	v2 =	vbroadcast v1, $0xD;
	_ =	sdelay $0x1  }
0x84: {  	[tilespmem:$0x1FC50] =	vst v2;
	v2 =	vbroadcast v1, $0xE  }
0x85: {  	v1 =	vbroadcast v1, $0xF  }
0x86: {  	[tilespmem:$0x1FC60] =	vst v2;
	v2 =	vbroadcast v0, $0x6  }
0x87: {  	[tilespmem:$0x1FC70] =	vst v1;
	v1 =	vbroadcast v0, $0x0  }
0x88: {  	[tilespmem:$0x1FCE0] =	vst v2;
	v2 =	vbroadcast v0, $0x7  }
0x89: {  	[tilespmem:$0x1FC80] =	vst v1;
	v1 =	vbroadcast v0, $0x1  }
0x8a: {  	[tilespmem:$0x1FCF0] =	vst v2;
	v2 =	vbroadcast v0, $0x8  }
0x8b: {  	[tilespmem:$0x1FC90] =	vst v1;
	v1 =	vbroadcast v0, $0x2  }
0x8c: {  	[tilespmem:$0x1FD00] =	vst v2;
	v2 =	vbroadcast v0, $0x9  }
0x8d: {  	[tilespmem:$0x1FCA0] =	vst v1;
	v1 =	vbroadcast v0, $0x3  }
0x8e: {  	[tilespmem:$0x1FD10] =	vst v2;
	v2 =	vbroadcast v0, $0xA  }
0x8f: {  	[tilespmem:$0x1FCB0] =	vst v1;
	v1 =	vbroadcast v0, $0x4  }
0x90: {  	[tilespmem:$0x1FD20] =	vst v2;
	v2 =	vbroadcast v0, $0xB  }
0x91: {  	[tilespmem:$0x1FCC0] =	vst v1;
	v1 =	vbroadcast v0, $0x5  }
0x92: {  	[tilespmem:$0x1FD30] =	vst v2;
	v2 =	vbroadcast v0, $0xC  }
0x93: {  	[tilespmem:$0x1FCD0] =	vst v1;
	v1 =	vld [tilespmem:$0x10850]  }
0x94: {  	[tilespmem:$0x1FD40] =	vst v2;
	v2 =	vbroadcast v0, $0xD;
	_ =	sdelay $0x1  }
0x95: {  	[tilespmem:$0x1FD50] =	vst v2;
	v2 =	vbroadcast v0, $0xE  }
0x96: {  	v0 =	vbroadcast v0, $0xF  }
0x97: {  	[tilespmem:$0x1FD60] =	vst v2;
	v2 =	vbroadcast v1, $0x6  }
0x98: {  	[tilespmem:$0x1FD70] =	vst v0;
	v0 =	vbroadcast v1, $0x0  }
0x99: {  	[tilespmem:$0x1FDE0] =	vst v2;
	v2 =	vbroadcast v1, $0x7  }
0x9a: {  	[tilespmem:$0x1FD80] =	vst v0;
	v0 =	vbroadcast v1, $0x1  }
0x9b: {  	[tilespmem:$0x1FDF0] =	vst v2;
	v2 =	vbroadcast v1, $0x8  }
0x9c: {  	[tilespmem:$0x1FD90] =	vst v0;
	v0 =	vbroadcast v1, $0x2  }
0x9d: {  	[tilespmem:$0x1FE00] =	vst v2;
	v2 =	vbroadcast v1, $0x9  }
0x9e: {  	[tilespmem:$0x1FDA0] =	vst v0;
	v0 =	vbroadcast v1, $0x3  }
0x9f: {  	[tilespmem:$0x1FE10] =	vst v2;
	v2 =	vbroadcast v1, $0xA  }
0xa0: {  	[tilespmem:$0x1FDB0] =	vst v0;
	v0 =	vbroadcast v1, $0x4  }
0xa1: {  	[tilespmem:$0x1FE20] =	vst v2;
	v2 =	vbroadcast v1, $0xB  }
0xa2: {  	[tilespmem:$0x1FDC0] =	vst v0;
	v0 =	vbroadcast v1, $0x5  }
0xa3: {  	[tilespmem:$0x1FE30] =	vst v2;
	v2 =	vbroadcast v1, $0xC  }
0xa4: {  	[tilespmem:$0x1FDD0] =	vst v0;
	v0 =	vld [tilespmem:$0x10860]  }
0xa5: {  	[tilespmem:$0x1FE40] =	vst v2;
	v2 =	vbroadcast v1, $0xD;
	_ =	sdelay $0x1  }
0xa6: {  	[tilespmem:$0x1FE50] =	vst v2;
	v2 =	vbroadcast v1, $0xE  }
0xa7: {  	v1 =	vbroadcast v1, $0xF  }
0xa8: {  	[tilespmem:$0x1FE60] =	vst v2;
	v2 =	vbroadcast v0, $0x6  }
0xa9: {  	[tilespmem:$0x1FE70] =	vst v1;
	v1 =	vbroadcast v0, $0x0  }
0xaa: {  	[tilespmem:$0x1FEE0] =	vst v2;
	v2 =	vbroadcast v0, $0x7  }
0xab: {  	v16 =	vld [tilespmem:$0x10880];
	[tilespmem:$0x1FE80] =	vst v1;
	v1 =	vbroadcast v0, $0x1  }
0xac: {  	[tilespmem:$0x1FEF0] =	vst v2;
	v2 =	vbroadcast v0, $0x8  }
0xad: {  	[tilespmem:$0x1FE90] =	vst v1;
	v1 =	vbroadcast v0, $0x2  }
0xae: {  	[tilespmem:$0x1FF00] =	vst v2;
	v2 =	vbroadcast v0, $0x9  }
0xaf: {  	[tilespmem:$0x1FEA0] =	vst v1;
	v1 =	vbroadcast v0, $0x3  }
0xb0: {  	v3 =	vbroadcast v16, $0x2;
	[tilespmem:$0x1FF10] =	vst v2;
	v2 =	vbroadcast v0, $0xA  }
0xb1: {  	v4 =	vbroadcast v16, $0x3;
	[tilespmem:$0x1FEB0] =	vst v1;
	v1 =	vbroadcast v0, $0x4  }
0xb2: {  	v5 =	vbroadcast v16, $0x4;
	[tilespmem:$0x1FF20] =	vst v2;
	v2 =	vbroadcast v0, $0xB  }
0xb3: {  	v6 =	vbroadcast v16, $0x5;
	[tilespmem:$0x1FEC0] =	vst v1;
	v1 =	vbroadcast v0, $0x5  }
0xb4: {  	v7 =	vbroadcast v16, $0x6;
	[tilespmem:$0x1FF30] =	vst v2;
	v2 =	vbroadcast v0, $0xC  }
0xb5: {  	v8 =	vbroadcast v16, $0x7;
	v9 =	vbroadcast v16, $0x8;
	[tilespmem:$0x1FED0] =	vst v1;
	v1 =	vld [tilespmem:$0x10870]  }
0xb6: {  	v32 =	vld [tilespmem:$0x10890];
	v10 =	vbroadcast v16, $0x9;
	[tilespmem:$0x1FF40] =	vst v2;
	v2 =	vbroadcast v0, $0xD  }
0xb7: {  	v11 =	vbroadcast v16, $0xA;
	v12 =	vbroadcast v16, $0xB  }
0xb8: {  	[tilespmem:$0x1FF50] =	vst v2;
	v2 =	vbroadcast v0, $0xE;
	v0 =	vbroadcast v0, $0xF  }
0xb9: {  	v13 =	vbroadcast v16, $0xC;
	v14 =	vbroadcast v16, $0xD  }
0xba: {  	v15 =	vbroadcast v16, $0xE;
	[tilespmem:$0x1FF70] =	vst v0;
	v0 =	vbroadcast v1, $0x0  }
0xbb: {  	v17 =	vbroadcast v32, $0x0;
	v18 =	vbroadcast v32, $0x1  }
0xbc: {  	v19 =	vbroadcast v32, $0x2;
	[tilespmem:$0x1FF80] =	vst v0;
	v0 =	vbroadcast v1, $0x1  }
0xbd: {  	v20 =	vbroadcast v32, $0x3;
	v21 =	vbroadcast v32, $0x4  }
0xbe: {  	v22 =	vbroadcast v32, $0x5;
	[tilespmem:$0x1FF90] =	vst v0;
	v0 =	vbroadcast v1, $0x2  }
0xbf: {  	v23 =	vbroadcast v32, $0x6;
	v24 =	vbroadcast v32, $0x7  }
0xc0: {  	v25 =	vbroadcast v32, $0x8;
	[tilespmem:$0x1FFA0] =	vst v0;
	v0 =	vbroadcast v1, $0x3  }
0xc1: {  	v26 =	vbroadcast v32, $0x9;
	v27 =	vbroadcast v32, $0xA  }
0xc2: {  	v28 =	vbroadcast v32, $0xB;
	[tilespmem:$0x1FFB0] =	vst v0;
	v0 =	vbroadcast v1, $0x4  }
0xc3: {  	v29 =	vbroadcast v32, $0xC;
	v30 =	vbroadcast v32, $0xD  }
0xc4: {  	v31 =	vbroadcast v32, $0xE;
	[tilespmem:$0x1FFC0] =	vst v0;
	v0 =	vbroadcast v1, $0x5  }
0xc5: {  	v32 =	vbroadcast v32, $0xF;
	v57 =	vbroadcast v1, $0x8  }
0xc6: {  	v58 =	vbroadcast v1, $0x9;
	[tilespmem:$0x1FFD0] =	vst v0;
	v0 =	vbroadcast v1, $0x6  }
0xc7: {  	v59 =	vbroadcast v1, $0xA;
	v60 =	vbroadcast v1, $0xB  }
0xc8: {  	v61 =	vbroadcast v1, $0xC;
	[tilespmem:$0x1FFE0] =	vst v0;
	v0 =	vbroadcast v1, $0x7  }
0xc9: {  	v62 =	vbroadcast v1, $0xD;
	v63 =	vbroadcast v1, $0xE;
	[tilespmem:$0x1FF60] =	vst v2  }
0xca: {  	v2 =	vbroadcast v16, $0x1;
	[tilespmem:$0x1FFF0] =	vst v0;
	v0 =	vbroadcast v1, $0xF  }
0xcb: {  	s16 =	simm.s32 $0x0;
	s17 =	simm.s32 $0x0;
	v1 =	vbroadcast v16, $0x0;
	v16 =	vbroadcast v16, $0xF  }
.LBB2_2:
0xcc: {  	v45 =	vld [tilespmem:s31+$0x0];
	_ =	sdelay $0x2  }
0xcd: {  	v33 =	vmov s17  }
0xce: {  	v33 =	vshll.u32 v33, $0x7  }
0xcf: {  	v46 =	vor.u32 v56, v33;
	v34 =	vand.u32 $0xFFFFFF80, v45  }
0xd0: {  	v52 =	vand.u32 $0x7F, v45;
	v35 =	vadd.s32 $0x1, v45;
	v36 =	vadd.s32 $0x2, v45  }
0xd1: {  	v37 =	vadd.s32 $0x3, v45;
	v39 =	vadd.s32 $0x4, v45;
	v41 =	vadd.s32 $0x5, v45  }
0xd2: {  	v42 =	vadd.s32 $0x6, v45;
	v34 =	vadd.s32 v46, v34;
	v53 =	vand.u32 $0xFFFFFF80, v35  }
0xd3: {  	v35 =	vand.u32 $0x7F, v35;
	v54 =	vand.u32 $0xFFFFFF80, v36;
	v36 =	vand.u32 $0x7F, v36  }
0xd4: {  	v38 =	vand.u32 $0xFFFFFF80, v37;
	v37 =	vand.u32 $0x7F, v37;
	v47 =	vand.u32 $0xFFFFFF80, v39  }
0xd5: {  	v39 =	vand.u32 $0x7F, v39;
	v49 =	vand.u32 $0xFFFFFF80, v41;
	v41 =	vand.u32 $0x7F, v41  }
0xd6: {  	v40 =	vld [tilespmem:s1+$0x0];
	v43 =	vand.u32 $0xFFFFFF80, v42;
	v33 =	vor.u32 v52, v34;
	v34 =	vadd.s32 v46, v53  }
0xd7: {  	v48 =	vld [tilespmem:s0+$0x0];
	v50 =	vand.u32 $0x7F, v42;
	v38 =	vadd.s32 v46, v38;
	v34 =	vor.u32 v35, v34  }
0xd8: {  	v51 =	vadd.s32 v46, v43;
	v52 =	vadd.s32 $0x7, v45;
	v35 =	vadd.s32 v46, v54  }
0xd9: {  	v55 =	vor.u32 v37, v38;
	v37 =	vadd.s32 v46, v47;
	v53 =	vand.u32 $0xFFFFFF80, v52  }
0xda: {  	v42 =	vand.u32 $0x7F, v52;
	v54 =	vadd.s32 $0x8, v45;
	v35 =	vor.u32 v36, v35  }
0xdb: {  	v37 =	vor.u32 v39, v37;
	v39 =	vadd.s32 v46, v49;
	v44 =	vld.idx.msk [tilespmem:v33+s15+$0x0], $0xffff;
	v33 =	vmul.u32 $0xA, v40  }
0xdc: {  	v38 =	vadd.s32 v46, v53;
	v39 =	vor.u32 v41, v39;
	v40 =	vld.idx.msk [tilespmem:v34+s15+$0x0], $0xffff;
	v34 =	vmul.u32 $0xA, v48  }
0xdd: {  	v41 =	vor.u32 v50, v51;
	v50 =	vand.u32 $0xFFFFFF80, v54;
	v51 =	vand.u32 $0x7F, v54;
	v54 =	vld [tilespmem:$0x1F880]  }
0xde: {  	v36 =	vld.idx.msk [tilespmem:v55+s15+$0x0], $0xffff;
	v55 =	vor.u32 v42, v38  }
0xdf: {  	v35 =	vld.idx.msk [tilespmem:v35+s15+$0x0], $0xffff  }
0xe0: {  	v47 =	vld.idx.msk [tilespmem:v37+s15+$0x0], $0xffff  }
0xe1: {  	v38 =	vadd.s32 v46, v50;
	v48 =	vld.idx.msk [tilespmem:v33+s23+$0x0], $0xffff  }
0xe2: {  	v38 =	vor.u32 v51, v38;
	v49 =	vld.idx.msk [tilespmem:v34+s24+$0x0], $0xffff  }
0xe3: {  	v42 =	vmax.f32 v44, $0.0e+00;
	v50 =	vld.idx.msk [tilespmem:v55+s15+$0x0], $0xffff  }
0xe4: {  	v55 =	vmul.f32 v42, v54;
	v54 =	vld [tilespmem:$0x1F890]  }
0xe5: {  	v52 =	vld.idx.msk [tilespmem:v41+s15+$0x0], $0xffff;
	_ =	sdelay $0x1  }
0xe6: {  	v44 =	vld.idx.msk [tilespmem:v38+s15+$0x0], $0xffff;
	v38 =	vmax.f32 v47, $0.0e+00;
	v47 =	vadd.f32 v49, v48  }
0xe7: {  	v53 =	vadd.s32 $0x9, v45;
	v39 =	vld.idx.msk [tilespmem:v39+s15+$0x0], $0xffff;
	v41 =	vmax.f32 v40, $0.0e+00;
	v37 =	vmax.f32 v36, $0.0e+00  }
0xe8: {  	v40 =	vmax.f32 v35, $0.0e+00;
	v47 =	vadd.f32 v47, v55;
	v55 =	vmul.f32 v41, v54;
	v54 =	vld [tilespmem:$0x1F8A0]  }
0xe9: {  	v35 =	vmax.f32 v52, $0.0e+00;
	v52 =	vand.u32 $0xFFFFFF80, v53;
	v53 =	vand.u32 $0x7F, v53  }
0xea: {  	v49 =	vadd.s32 v46, v52;
	v52 =	vadd.s32 $0xA, v45;
	v47 =	vadd.f32 v47, v55;
	v55 =	vld [tilespmem:$0x1F8B0]  }
0xeb: {  	v43 =	vmax.f32 v44, $0.0e+00;
	v44 =	vor.u32 v53, v49;
	v53 =	vand.u32 $0xFFFFFF80, v52  }
0xec: {  	v36 =	vmax.f32 v39, $0.0e+00;
	v39 =	vmax.f32 v50, $0.0e+00;
	v50 =	vadd.s32 v46, v53;
	v53 =	vld [tilespmem:$0x1F8C0]  }
0xed: {  	v48 =	vmul.f32 v40, v54  }
0xee: {  	v54 =	vld [tilespmem:$0x1F8D0]  }
0xef: {  	v47 =	vadd.f32 v47, v48;
	v48 =	vmul.f32 v37, v55  }
0xf0: {  	v51 =	vadd.s32 $0xB, v45;
	v55 =	vld [tilespmem:$0x1F8E0]  }
0xf1: {  	v49 =	vand.u32 $0x7F, v52;
	v47 =	vadd.f32 v47, v48;
	v48 =	vmul.f32 v38, v53  }
0xf2: {  	v52 =	vand.u32 $0xFFFFFF80, v51;
	v49 =	vor.u32 v49, v50;
	v50 =	vand.u32 $0x7F, v51  }
0xf3: {  	v51 =	vadd.s32 v46, v52;
	v47 =	vadd.f32 v47, v48;
	v48 =	vmul.f32 v36, v54  }
0xf4: {  	v52 =	vadd.s32 $0xC, v45;
	v50 =	vor.u32 v50, v51  }
0xf5: {  	v53 =	vadd.s32 $0xD, v45;
	v47 =	vadd.f32 v47, v48;
	v48 =	vmul.f32 v35, v55;
	v55 =	vld [tilespmem:$0x1F8F0]  }
0xf6: {  	v51 =	vand.u32 $0xFFFFFF80, v52;
	v52 =	vand.u32 $0x7F, v52;
	v54 =	vand.u32 $0xFFFFFF80, v53  }
0xf7: {  	v51 =	vadd.s32 v46, v51;
	v53 =	vand.u32 $0x7F, v53;
	v54 =	vadd.s32 v46, v54  }
0xf8: {  	v51 =	vor.u32 v52, v51;
	v52 =	vor.u32 v53, v54;
	v53 =	vadd.s32 $0xE, v45  }
0xf9: {  	v45 =	vadd.s32 $0xF, v45;
	v54 =	vand.u32 $0xFFFFFF80, v53;
	v53 =	vand.u32 $0x7F, v53  }
0xfa: {  	v47 =	vadd.f32 v47, v48;
	v54 =	vadd.s32 v46, v54;
	v48 =	vmul.f32 v39, v55;
	v55 =	vld [tilespmem:$0x1F900]  }
0xfb: {  	v44 =	vld.idx.msk [tilespmem:v44+s15+$0x0], $0xffff;
	v53 =	vor.u32 v53, v54;
	v54 =	vand.u32 $0xFFFFFF80, v45  }
0xfc: {  	v46 =	vadd.s32 v46, v54;
	v54 =	vld [tilespmem:$0x1F910];
	_ =	sdelay $0x2  }
0xfd: {  	v47 =	vadd.f32 v47, v48;
	v48 =	vmul.f32 v43, v55  }
0xfe: {  	v49 =	vld.idx.msk [tilespmem:v49+s15+$0x0], $0xffff;
	v44 =	vmax.f32 v44, $0.0e+00  }
0xff: {  	v47 =	vadd.f32 v47, v48;
	v48 =	vmul.f32 v44, v54;
	_ =	sdelay $0x1  }
0x100: {  	v47 =	vadd.f32 v47, v48;
	v48 =	vld [tilespmem:$0x1F920]  }
0x101: {  	v50 =	vld.idx.msk [tilespmem:v50+s15+$0x0], $0xffff;
	v55 =	vand.u32 $0x7F, v45  }
0x102: {  	v45 =	vmax.f32 v49, $0.0e+00;
	v49 =	vor.u32 v55, v46;
	v55 =	vld [tilespmem:$0x1F930]  }
0x103: {  	v51 =	vld.idx.msk [tilespmem:v51+s15+$0x0], $0xffff;
	_ =	sdelay $0x1  }
0x104: {  	v54 =	vmul.f32 v45, v48  }
0x105: {  	v46 =	vmax.f32 v50, $0.0e+00  }
0x106: {  	v50 =	vld.idx.msk [tilespmem:v53+s15+$0x0], $0xffff;
	v53 =	vmul.f32 v46, v55;
	v48 =	vadd.f32 v47, v54  }
0x107: {  	v47 =	vmax.f32 v51, $0.0e+00;
	v51 =	vld.idx.msk [tilespmem:v49+s15+$0x0], $0xffff  }
0x108: {  	v49 =	vadd.f32 v48, v53;
	v53 =	vld [tilespmem:$0x1F940]  }
0x109: {  	v52 =	vld.idx.msk [tilespmem:v52+s15+$0x0], $0xffff  }
0x10a: {  	v54 =	vld [tilespmem:$0x1F950];
	_ =	sdelay $0x1  }
0x10b: {  	v55 =	vld [tilespmem:$0x1F960]  }
0x10c: {  	v53 =	vmul.f32 v47, v53  }
0x10d: {  	v48 =	vmax.f32 v52, $0.0e+00  }
0x10e: {  	v52 =	vadd.f32 v49, v53;
	v53 =	vmul.f32 v48, v54  }
0x10f: {  	v49 =	vmax.f32 v50, $0.0e+00  }
0x110: {  	v52 =	vadd.f32 v52, v53;
	v53 =	vmul.f32 v49, v55;
	_ =	sdelay $0x1  }
0x111: {  	v50 =	vmax.f32 v51, $0.0e+00;
	v51 =	vadd.f32 v52, v53;
	v52 =	vld [tilespmem:$0x1F970];
	_ =	sdelay $0x4  }
0x112: {  	v53 =	vor.u32 $0x1, v33;
	v52 =	vmul.f32 v50, v52  }
0x113: {  	v54 =	vor.u32 $0x1, v34  }
0x114: {  	s18 =	sand.u32 $0x70, s17;
	s19 =	sand.u32 $0xC00, s16;
	v51 =	vadd.f32 v51, v52  }
0x115: {  	s18 =	sor.u32 s18, s19  }
0x116: {  	[tilespmem:s18+$0x10A80] =	vst v51  }
0x117: {  	v51 =	vld.idx.msk [tilespmem:v53+s23+$0x0], $0xffff  }
0x118: {  	v52 =	vld.idx.msk [tilespmem:v54+s24+$0x0], $0xffff;
	_ =	sdelay $0x4  }
0x119: {  	v51 =	vadd.f32 v52, v51;
	v52 =	vld [tilespmem:$0x1F980];
	_ =	sdelay $0x4  }
0x11a: {  	v52 =	vmul.f32 v42, v52;
	_ =	sdelay $0x1  }
0x11b: {  	v51 =	vadd.f32 v51, v52;
	v52 =	vld [tilespmem:$0x1F990];
	_ =	sdelay $0x4  }
0x11c: {  	v52 =	vmul.f32 v41, v52;
	_ =	sdelay $0x1  }
0x11d: {  	v51 =	vadd.f32 v51, v52;
	v52 =	vld [tilespmem:$0x1F9A0];
	_ =	sdelay $0x4  }
0x11e: {  	v52 =	vmul.f32 v40, v52;
	_ =	sdelay $0x1  }
0x11f: {  	v51 =	vadd.f32 v51, v52;
	v52 =	vld [tilespmem:$0x1F9B0];
	_ =	sdelay $0x4  }
0x120: {  	v52 =	vmul.f32 v37, v52;
	_ =	sdelay $0x1  }
0x121: {  	v51 =	vadd.f32 v51, v52;
	v52 =	vld [tilespmem:$0x1F9C0];
	_ =	sdelay $0x4  }
0x122: {  	v52 =	vmul.f32 v38, v52;
	_ =	sdelay $0x1  }
0x123: {  	v51 =	vadd.f32 v51, v52;
	v52 =	vld [tilespmem:$0x1F9D0];
	_ =	sdelay $0x4  }
0x124: {  	v52 =	vmul.f32 v36, v52;
	_ =	sdelay $0x1  }
0x125: {  	v51 =	vadd.f32 v51, v52;
	v52 =	vld [tilespmem:$0x1F9E0];
	_ =	sdelay $0x4  }
0x126: {  	v52 =	vmul.f32 v35, v52;
	_ =	sdelay $0x1  }
0x127: {  	v51 =	vadd.f32 v51, v52;
	v52 =	vld [tilespmem:$0x1F9F0];
	_ =	sdelay $0x4  }
0x128: {  	v52 =	vmul.f32 v39, v52;
	_ =	sdelay $0x1  }
0x129: {  	v51 =	vadd.f32 v51, v52;
	v52 =	vld [tilespmem:$0x1FA00];
	_ =	sdelay $0x4  }
0x12a: {  	v52 =	vmul.f32 v43, v52;
	_ =	sdelay $0x1  }
0x12b: {  	v51 =	vadd.f32 v51, v52;
	v52 =	vld [tilespmem:$0x1FA10];
	_ =	sdelay $0x4  }
0x12c: {  	v52 =	vmul.f32 v44, v52;
	_ =	sdelay $0x1  }
0x12d: {  	v51 =	vadd.f32 v51, v52;
	v52 =	vld [tilespmem:$0x1FA20];
	_ =	sdelay $0x4  }
0x12e: {  	v52 =	vmul.f32 v45, v52;
	_ =	sdelay $0x1  }
0x12f: {  	v51 =	vadd.f32 v51, v52;
	v52 =	vld [tilespmem:$0x1FA30];
	_ =	sdelay $0x4  }
0x130: {  	v52 =	vmul.f32 v46, v52;
	_ =	sdelay $0x1  }
0x131: {  	v51 =	vadd.f32 v51, v52;
	v52 =	vld [tilespmem:$0x1FA40];
	_ =	sdelay $0x4  }
0x132: {  	v52 =	vmul.f32 v47, v52;
	_ =	sdelay $0x1  }
0x133: {  	v51 =	vadd.f32 v51, v52;
	v52 =	vld [tilespmem:$0x1FA50];
	_ =	sdelay $0x4  }
0x134: {  	v52 =	vmul.f32 v48, v52;
	_ =	sdelay $0x1  }
0x135: {  	v51 =	vadd.f32 v51, v52;
	v52 =	vld [tilespmem:$0x1FA60];
	_ =	sdelay $0x4  }
0x136: {  	v52 =	vmul.f32 v49, v52;
	_ =	sdelay $0x1  }
0x137: {  	v51 =	vadd.f32 v51, v52;
	v52 =	vld [tilespmem:$0x1FA70];
	_ =	sdelay $0x4  }
0x138: {  	v53 =	vadd.s32 $0x2, v33;
	v52 =	vmul.f32 v50, v52  }
0x139: {  	v54 =	vadd.s32 $0x2, v34  }
0x13a: {  	v51 =	vadd.f32 v51, v52  }
0x13b: {  	s19 =	sadd.s32 $0x10A80, s18  }
0x13c: {  	[tilespmem:s19+$0x80] =	vst v51  }
0x13d: {  	v51 =	vld.idx.msk [tilespmem:v53+s23+$0x0], $0xffff  }
0x13e: {  	v52 =	vld.idx.msk [tilespmem:v54+s24+$0x0], $0xffff;
	_ =	sdelay $0x4  }
0x13f: {  	v51 =	vadd.f32 v52, v51;
	v52 =	vld [tilespmem:$0x1FA80];
	_ =	sdelay $0x4  }
0x140: {  	v52 =	vmul.f32 v42, v52;
	_ =	sdelay $0x1  }
0x141: {  	v51 =	vadd.f32 v51, v52;
	v52 =	vld [tilespmem:$0x1FA90];
	_ =	sdelay $0x4  }
0x142: {  	v52 =	vmul.f32 v41, v52;
	_ =	sdelay $0x1  }
0x143: {  	v51 =	vadd.f32 v51, v52;
	v52 =	vld [tilespmem:$0x1FAA0];
	_ =	sdelay $0x4  }
0x144: {  	v52 =	vmul.f32 v40, v52;
	_ =	sdelay $0x1  }
0x145: {  	v51 =	vadd.f32 v51, v52;
	v52 =	vld [tilespmem:$0x1FAB0];
	_ =	sdelay $0x4  }
0x146: {  	v52 =	vmul.f32 v37, v52;
	_ =	sdelay $0x1  }
0x147: {  	v51 =	vadd.f32 v51, v52;
	v52 =	vld [tilespmem:$0x1FAC0];
	_ =	sdelay $0x4  }
0x148: {  	v52 =	vmul.f32 v38, v52;
	_ =	sdelay $0x1  }
0x149: {  	v51 =	vadd.f32 v51, v52;
	v52 =	vld [tilespmem:$0x1FAD0];
	_ =	sdelay $0x4  }
0x14a: {  	v52 =	vmul.f32 v36, v52;
	_ =	sdelay $0x1  }
0x14b: {  	v51 =	vadd.f32 v51, v52;
	v52 =	vld [tilespmem:$0x1FAE0];
	_ =	sdelay $0x4  }
0x14c: {  	v52 =	vmul.f32 v35, v52;
	_ =	sdelay $0x1  }
0x14d: {  	v51 =	vadd.f32 v51, v52;
	v52 =	vld [tilespmem:$0x1FAF0];
	_ =	sdelay $0x4  }
0x14e: {  	v52 =	vmul.f32 v39, v52;
	_ =	sdelay $0x1  }
0x14f: {  	v51 =	vadd.f32 v51, v52;
	v52 =	vld [tilespmem:$0x1FB00];
	_ =	sdelay $0x4  }
0x150: {  	v52 =	vmul.f32 v43, v52;
	_ =	sdelay $0x1  }
0x151: {  	v51 =	vadd.f32 v51, v52;
	v52 =	vld [tilespmem:$0x1FB10];
	_ =	sdelay $0x4  }
0x152: {  	v52 =	vmul.f32 v44, v52;
	_ =	sdelay $0x1  }
0x153: {  	v51 =	vadd.f32 v51, v52;
	v52 =	vld [tilespmem:$0x1FB20];
	_ =	sdelay $0x4  }
0x154: {  	v52 =	vmul.f32 v45, v52;
	_ =	sdelay $0x1  }
0x155: {  	v51 =	vadd.f32 v51, v52;
	v52 =	vld [tilespmem:$0x1FB30];
	_ =	sdelay $0x4  }
0x156: {  	v52 =	vmul.f32 v46, v52;
	_ =	sdelay $0x1  }
0x157: {  	v51 =	vadd.f32 v51, v52;
	v52 =	vld [tilespmem:$0x1FB40];
	_ =	sdelay $0x4  }
0x158: {  	v52 =	vmul.f32 v47, v52;
	_ =	sdelay $0x1  }
0x159: {  	v51 =	vadd.f32 v51, v52;
	v52 =	vld [tilespmem:$0x1FB50];
	_ =	sdelay $0x4  }
0x15a: {  	v52 =	vmul.f32 v48, v52;
	_ =	sdelay $0x1  }
0x15b: {  	v51 =	vadd.f32 v51, v52;
	v52 =	vld [tilespmem:$0x1FB60];
	_ =	sdelay $0x4  }
0x15c: {  	v52 =	vmul.f32 v49, v52;
	_ =	sdelay $0x1  }
0x15d: {  	v51 =	vadd.f32 v51, v52;
	v52 =	vld [tilespmem:$0x1FB70];
	_ =	sdelay $0x4  }
0x15e: {  	v53 =	vadd.s32 $0x3, v33;
	v52 =	vmul.f32 v50, v52  }
0x15f: {  	v54 =	vadd.s32 $0x3, v34  }
0x160: {  	v51 =	vadd.f32 v51, v52;
	_ =	sdelay $0x1  }
0x161: {  	[tilespmem:s19+$0x100] =	vst v51  }
0x162: {  	v51 =	vld.idx.msk [tilespmem:v53+s23+$0x0], $0xffff  }
0x163: {  	v52 =	vld.idx.msk [tilespmem:v54+s24+$0x0], $0xffff;
	_ =	sdelay $0x4  }
0x164: {  	v51 =	vadd.f32 v52, v51;
	v52 =	vld [tilespmem:$0x1FB80];
	_ =	sdelay $0x4  }
0x165: {  	v52 =	vmul.f32 v42, v52;
	_ =	sdelay $0x1  }
0x166: {  	v51 =	vadd.f32 v51, v52;
	v52 =	vld [tilespmem:$0x1FB90];
	_ =	sdelay $0x4  }
0x167: {  	v52 =	vmul.f32 v41, v52;
	_ =	sdelay $0x1  }
0x168: {  	v51 =	vadd.f32 v51, v52;
	v52 =	vld [tilespmem:$0x1FBA0];
	_ =	sdelay $0x4  }
0x169: {  	v52 =	vmul.f32 v40, v52;
	_ =	sdelay $0x1  }
0x16a: {  	v51 =	vadd.f32 v51, v52;
	v52 =	vld [tilespmem:$0x1FBB0];
	_ =	sdelay $0x4  }
0x16b: {  	v52 =	vmul.f32 v37, v52;
	_ =	sdelay $0x1  }
0x16c: {  	v51 =	vadd.f32 v51, v52;
	v52 =	vld [tilespmem:$0x1FBC0];
	_ =	sdelay $0x4  }
0x16d: {  	v52 =	vmul.f32 v38, v52;
	_ =	sdelay $0x1  }
0x16e: {  	v51 =	vadd.f32 v51, v52;
	v52 =	vld [tilespmem:$0x1FBD0];
	_ =	sdelay $0x4  }
0x16f: {  	v52 =	vmul.f32 v36, v52;
	_ =	sdelay $0x1  }
0x170: {  	v51 =	vadd.f32 v51, v52;
	v52 =	vld [tilespmem:$0x1FBE0];
	_ =	sdelay $0x4  }
0x171: {  	v52 =	vmul.f32 v35, v52;
	_ =	sdelay $0x1  }
0x172: {  	v51 =	vadd.f32 v51, v52;
	v52 =	vld [tilespmem:$0x1FBF0];
	_ =	sdelay $0x4  }
0x173: {  	v52 =	vmul.f32 v39, v52;
	_ =	sdelay $0x1  }
0x174: {  	v51 =	vadd.f32 v51, v52;
	v52 =	vld [tilespmem:$0x1FC00];
	_ =	sdelay $0x4  }
0x175: {  	v52 =	vmul.f32 v43, v52;
	_ =	sdelay $0x1  }
0x176: {  	v51 =	vadd.f32 v51, v52;
	v52 =	vld [tilespmem:$0x1FC10];
	_ =	sdelay $0x4  }
0x177: {  	v52 =	vmul.f32 v44, v52;
	_ =	sdelay $0x1  }
0x178: {  	v51 =	vadd.f32 v51, v52;
	v52 =	vld [tilespmem:$0x1FC20];
	_ =	sdelay $0x4  }
0x179: {  	v52 =	vmul.f32 v45, v52;
	_ =	sdelay $0x1  }
0x17a: {  	v51 =	vadd.f32 v51, v52;
	v52 =	vld [tilespmem:$0x1FC30];
	_ =	sdelay $0x4  }
0x17b: {  	v52 =	vmul.f32 v46, v52;
	_ =	sdelay $0x1  }
0x17c: {  	v51 =	vadd.f32 v51, v52;
	v52 =	vld [tilespmem:$0x1FC40];
	_ =	sdelay $0x4  }
0x17d: {  	v52 =	vmul.f32 v47, v52;
	_ =	sdelay $0x1  }
0x17e: {  	v51 =	vadd.f32 v51, v52;
	v52 =	vld [tilespmem:$0x1FC50];
	_ =	sdelay $0x4  }
0x17f: {  	v52 =	vmul.f32 v48, v52;
	_ =	sdelay $0x1  }
0x180: {  	v51 =	vadd.f32 v51, v52;
	v52 =	vld [tilespmem:$0x1FC60];
	_ =	sdelay $0x4  }
0x181: {  	v52 =	vmul.f32 v49, v52;
	_ =	sdelay $0x1  }
0x182: {  	v51 =	vadd.f32 v51, v52;
	v52 =	vld [tilespmem:$0x1FC70];
	_ =	sdelay $0x4  }
0x183: {  	v53 =	vadd.s32 $0x4, v33;
	v52 =	vmul.f32 v50, v52  }
0x184: {  	v54 =	vadd.s32 $0x4, v34  }
0x185: {  	v51 =	vadd.f32 v51, v52;
	_ =	sdelay $0x1  }
0x186: {  	[tilespmem:s19+$0x180] =	vst v51  }
0x187: {  	v51 =	vld.idx.msk [tilespmem:v53+s23+$0x0], $0xffff  }
0x188: {  	v52 =	vld.idx.msk [tilespmem:v54+s24+$0x0], $0xffff;
	_ =	sdelay $0x4  }
0x189: {  	v51 =	vadd.f32 v52, v51;
	v52 =	vld [tilespmem:$0x1FC80];
	_ =	sdelay $0x4  }
0x18a: {  	v52 =	vmul.f32 v42, v52;
	_ =	sdelay $0x1  }
0x18b: {  	v51 =	vadd.f32 v51, v52;
	v52 =	vld [tilespmem:$0x1FC90];
	_ =	sdelay $0x4  }
0x18c: {  	v52 =	vmul.f32 v41, v52;
	_ =	sdelay $0x1  }
0x18d: {  	v51 =	vadd.f32 v51, v52;
	v52 =	vld [tilespmem:$0x1FCA0];
	_ =	sdelay $0x4  }
0x18e: {  	v52 =	vmul.f32 v40, v52;
	_ =	sdelay $0x1  }
0x18f: {  	v51 =	vadd.f32 v51, v52;
	v52 =	vld [tilespmem:$0x1FCB0];
	_ =	sdelay $0x4  }
0x190: {  	v52 =	vmul.f32 v37, v52;
	_ =	sdelay $0x1  }
0x191: {  	v51 =	vadd.f32 v51, v52;
	v52 =	vld [tilespmem:$0x1FCC0];
	_ =	sdelay $0x4  }
0x192: {  	v52 =	vmul.f32 v38, v52;
	_ =	sdelay $0x1  }
0x193: {  	v51 =	vadd.f32 v51, v52;
	v52 =	vld [tilespmem:$0x1FCD0];
	_ =	sdelay $0x4  }
0x194: {  	v52 =	vmul.f32 v36, v52;
	_ =	sdelay $0x1  }
0x195: {  	v51 =	vadd.f32 v51, v52;
	v52 =	vld [tilespmem:$0x1FCE0];
	_ =	sdelay $0x4  }
0x196: {  	v52 =	vmul.f32 v35, v52;
	_ =	sdelay $0x1  }
0x197: {  	v51 =	vadd.f32 v51, v52;
	v52 =	vld [tilespmem:$0x1FCF0];
	_ =	sdelay $0x4  }
0x198: {  	v52 =	vmul.f32 v39, v52;
	_ =	sdelay $0x1  }
0x199: {  	v51 =	vadd.f32 v51, v52;
	v52 =	vld [tilespmem:$0x1FD00];
	_ =	sdelay $0x4  }
0x19a: {  	v52 =	vmul.f32 v43, v52;
	_ =	sdelay $0x1  }
0x19b: {  	v51 =	vadd.f32 v51, v52;
	v52 =	vld [tilespmem:$0x1FD10];
	_ =	sdelay $0x4  }
0x19c: {  	v52 =	vmul.f32 v44, v52;
	_ =	sdelay $0x1  }
0x19d: {  	v51 =	vadd.f32 v51, v52;
	v52 =	vld [tilespmem:$0x1FD20];
	_ =	sdelay $0x4  }
0x19e: {  	v52 =	vmul.f32 v45, v52;
	_ =	sdelay $0x1  }
0x19f: {  	v51 =	vadd.f32 v51, v52;
	v52 =	vld [tilespmem:$0x1FD30];
	_ =	sdelay $0x4  }
0x1a0: {  	v52 =	vmul.f32 v46, v52;
	_ =	sdelay $0x1  }
0x1a1: {  	v51 =	vadd.f32 v51, v52;
	v52 =	vld [tilespmem:$0x1FD40];
	_ =	sdelay $0x4  }
0x1a2: {  	v52 =	vmul.f32 v47, v52;
	_ =	sdelay $0x1  }
0x1a3: {  	v51 =	vadd.f32 v51, v52;
	v52 =	vld [tilespmem:$0x1FD50];
	_ =	sdelay $0x4  }
0x1a4: {  	v52 =	vmul.f32 v48, v52;
	_ =	sdelay $0x1  }
0x1a5: {  	v51 =	vadd.f32 v51, v52;
	v52 =	vld [tilespmem:$0x1FD60];
	_ =	sdelay $0x4  }
0x1a6: {  	v52 =	vmul.f32 v49, v52;
	_ =	sdelay $0x1  }
0x1a7: {  	v51 =	vadd.f32 v51, v52;
	v52 =	vld [tilespmem:$0x1FD70];
	_ =	sdelay $0x4  }
0x1a8: {  	v53 =	vadd.s32 $0x5, v33;
	v52 =	vmul.f32 v50, v52  }
0x1a9: {  	v54 =	vadd.s32 $0x5, v34  }
0x1aa: {  	v51 =	vadd.f32 v51, v52;
	_ =	sdelay $0x1  }
0x1ab: {  	[tilespmem:s19+$0x200] =	vst v51  }
0x1ac: {  	v51 =	vld.idx.msk [tilespmem:v53+s23+$0x0], $0xffff  }
0x1ad: {  	v52 =	vld.idx.msk [tilespmem:v54+s24+$0x0], $0xffff;
	_ =	sdelay $0x4  }
0x1ae: {  	v51 =	vadd.f32 v52, v51;
	v52 =	vld [tilespmem:$0x1FD80];
	_ =	sdelay $0x4  }
0x1af: {  	v52 =	vmul.f32 v42, v52;
	_ =	sdelay $0x1  }
0x1b0: {  	v51 =	vadd.f32 v51, v52;
	v52 =	vld [tilespmem:$0x1FD90];
	_ =	sdelay $0x4  }
0x1b1: {  	v52 =	vmul.f32 v41, v52;
	_ =	sdelay $0x1  }
0x1b2: {  	v51 =	vadd.f32 v51, v52;
	v52 =	vld [tilespmem:$0x1FDA0];
	_ =	sdelay $0x4  }
0x1b3: {  	v52 =	vmul.f32 v40, v52;
	_ =	sdelay $0x1  }
0x1b4: {  	v51 =	vadd.f32 v51, v52;
	v52 =	vld [tilespmem:$0x1FDB0];
	_ =	sdelay $0x4  }
0x1b5: {  	v52 =	vmul.f32 v37, v52;
	_ =	sdelay $0x1  }
0x1b6: {  	v51 =	vadd.f32 v51, v52;
	v52 =	vld [tilespmem:$0x1FDC0];
	_ =	sdelay $0x4  }
0x1b7: {  	v52 =	vmul.f32 v38, v52;
	_ =	sdelay $0x1  }
0x1b8: {  	v51 =	vadd.f32 v51, v52;
	v52 =	vld [tilespmem:$0x1FDD0];
	_ =	sdelay $0x4  }
0x1b9: {  	v52 =	vmul.f32 v36, v52;
	_ =	sdelay $0x1  }
0x1ba: {  	v51 =	vadd.f32 v51, v52;
	v52 =	vld [tilespmem:$0x1FDE0];
	_ =	sdelay $0x4  }
0x1bb: {  	v52 =	vmul.f32 v35, v52;
	_ =	sdelay $0x1  }
0x1bc: {  	v51 =	vadd.f32 v51, v52;
	v52 =	vld [tilespmem:$0x1FDF0];
	_ =	sdelay $0x4  }
0x1bd: {  	v52 =	vmul.f32 v39, v52;
	_ =	sdelay $0x1  }
0x1be: {  	v51 =	vadd.f32 v51, v52;
	v52 =	vld [tilespmem:$0x1FE00];
	_ =	sdelay $0x4  }
0x1bf: {  	v52 =	vmul.f32 v43, v52;
	_ =	sdelay $0x1  }
0x1c0: {  	v51 =	vadd.f32 v51, v52;
	v52 =	vld [tilespmem:$0x1FE10];
	_ =	sdelay $0x4  }
0x1c1: {  	v52 =	vmul.f32 v44, v52;
	_ =	sdelay $0x1  }
0x1c2: {  	v51 =	vadd.f32 v51, v52;
	v52 =	vld [tilespmem:$0x1FE20];
	_ =	sdelay $0x4  }
0x1c3: {  	v52 =	vmul.f32 v45, v52;
	_ =	sdelay $0x1  }
0x1c4: {  	v51 =	vadd.f32 v51, v52;
	v52 =	vld [tilespmem:$0x1FE30];
	_ =	sdelay $0x4  }
0x1c5: {  	v52 =	vmul.f32 v46, v52;
	_ =	sdelay $0x1  }
0x1c6: {  	v51 =	vadd.f32 v51, v52;
	v52 =	vld [tilespmem:$0x1FE40];
	_ =	sdelay $0x4  }
0x1c7: {  	v52 =	vmul.f32 v47, v52;
	_ =	sdelay $0x1  }
0x1c8: {  	v51 =	vadd.f32 v51, v52;
	v52 =	vld [tilespmem:$0x1FE50];
	_ =	sdelay $0x4  }
0x1c9: {  	v52 =	vmul.f32 v48, v52;
	_ =	sdelay $0x1  }
0x1ca: {  	v51 =	vadd.f32 v51, v52;
	v52 =	vld [tilespmem:$0x1FE60];
	_ =	sdelay $0x4  }
0x1cb: {  	v52 =	vmul.f32 v49, v52;
	_ =	sdelay $0x1  }
0x1cc: {  	v51 =	vadd.f32 v51, v52;
	v52 =	vld [tilespmem:$0x1FE70];
	_ =	sdelay $0x4  }
0x1cd: {  	v53 =	vadd.s32 $0x6, v33;
	v52 =	vmul.f32 v50, v52  }
0x1ce: {  	v54 =	vadd.s32 $0x6, v34  }
0x1cf: {  	v51 =	vadd.f32 v51, v52;
	_ =	sdelay $0x1  }
0x1d0: {  	[tilespmem:s19+$0x280] =	vst v51  }
0x1d1: {  	v51 =	vld.idx.msk [tilespmem:v53+s23+$0x0], $0xffff  }
0x1d2: {  	v52 =	vld.idx.msk [tilespmem:v54+s24+$0x0], $0xffff;
	_ =	sdelay $0x4  }
0x1d3: {  	v51 =	vadd.f32 v52, v51;
	v52 =	vld [tilespmem:$0x1FE80];
	_ =	sdelay $0x4  }
0x1d4: {  	v52 =	vmul.f32 v42, v52;
	_ =	sdelay $0x1  }
0x1d5: {  	v51 =	vadd.f32 v51, v52;
	v52 =	vld [tilespmem:$0x1FE90];
	_ =	sdelay $0x4  }
0x1d6: {  	v52 =	vmul.f32 v41, v52;
	_ =	sdelay $0x1  }
0x1d7: {  	v51 =	vadd.f32 v51, v52;
	v52 =	vld [tilespmem:$0x1FEA0];
	_ =	sdelay $0x4  }
0x1d8: {  	v52 =	vmul.f32 v40, v52;
	_ =	sdelay $0x1  }
0x1d9: {  	v51 =	vadd.f32 v51, v52;
	v52 =	vld [tilespmem:$0x1FEB0];
	_ =	sdelay $0x4  }
0x1da: {  	v52 =	vmul.f32 v37, v52;
	_ =	sdelay $0x1  }
0x1db: {  	v51 =	vadd.f32 v51, v52;
	v52 =	vld [tilespmem:$0x1FEC0];
	_ =	sdelay $0x4  }
0x1dc: {  	v52 =	vmul.f32 v38, v52;
	_ =	sdelay $0x1  }
0x1dd: {  	v51 =	vadd.f32 v51, v52;
	v52 =	vld [tilespmem:$0x1FED0];
	_ =	sdelay $0x4  }
0x1de: {  	v52 =	vmul.f32 v36, v52;
	_ =	sdelay $0x1  }
0x1df: {  	v51 =	vadd.f32 v51, v52;
	v52 =	vld [tilespmem:$0x1FEE0];
	_ =	sdelay $0x4  }
0x1e0: {  	v52 =	vmul.f32 v35, v52;
	_ =	sdelay $0x1  }
0x1e1: {  	v51 =	vadd.f32 v51, v52;
	v52 =	vld [tilespmem:$0x1FEF0];
	_ =	sdelay $0x4  }
0x1e2: {  	v52 =	vmul.f32 v39, v52;
	_ =	sdelay $0x1  }
0x1e3: {  	v51 =	vadd.f32 v51, v52;
	v52 =	vld [tilespmem:$0x1FF00];
	_ =	sdelay $0x4  }
0x1e4: {  	v52 =	vmul.f32 v43, v52;
	_ =	sdelay $0x1  }
0x1e5: {  	v51 =	vadd.f32 v51, v52;
	v52 =	vld [tilespmem:$0x1FF10];
	_ =	sdelay $0x4  }
0x1e6: {  	v52 =	vmul.f32 v44, v52;
	_ =	sdelay $0x1  }
0x1e7: {  	v51 =	vadd.f32 v51, v52;
	v52 =	vld [tilespmem:$0x1FF20];
	_ =	sdelay $0x4  }
0x1e8: {  	v52 =	vmul.f32 v45, v52;
	_ =	sdelay $0x1  }
0x1e9: {  	v51 =	vadd.f32 v51, v52;
	v52 =	vld [tilespmem:$0x1FF30];
	_ =	sdelay $0x4  }
0x1ea: {  	v52 =	vmul.f32 v46, v52;
	_ =	sdelay $0x1  }
0x1eb: {  	v51 =	vadd.f32 v51, v52;
	v52 =	vld [tilespmem:$0x1FF40];
	_ =	sdelay $0x4  }
0x1ec: {  	v52 =	vmul.f32 v47, v52;
	_ =	sdelay $0x1  }
0x1ed: {  	v51 =	vadd.f32 v51, v52;
	v52 =	vld [tilespmem:$0x1FF50];
	_ =	sdelay $0x4  }
0x1ee: {  	v52 =	vmul.f32 v48, v52;
	_ =	sdelay $0x1  }
0x1ef: {  	v51 =	vadd.f32 v51, v52;
	v52 =	vld [tilespmem:$0x1FF60];
	_ =	sdelay $0x4  }
0x1f0: {  	v52 =	vmul.f32 v49, v52;
	_ =	sdelay $0x1  }
0x1f1: {  	v51 =	vadd.f32 v51, v52;
	v52 =	vld [tilespmem:$0x1FF70];
	_ =	sdelay $0x4  }
0x1f2: {  	v53 =	vadd.s32 $0x7, v33;
	v52 =	vmul.f32 v50, v52  }
0x1f3: {  	v54 =	vadd.s32 $0x7, v34  }
0x1f4: {  	v51 =	vadd.f32 v51, v52;
	_ =	sdelay $0x1  }
0x1f5: {  	[tilespmem:s19+$0x300] =	vst v51  }
0x1f6: {  	v51 =	vld.idx.msk [tilespmem:v53+s23+$0x0], $0xffff  }
0x1f7: {  	v52 =	vld.idx.msk [tilespmem:v54+s24+$0x0], $0xffff;
	_ =	sdelay $0x4  }
0x1f8: {  	v51 =	vadd.f32 v52, v51;
	v52 =	vld [tilespmem:$0x1FF80];
	_ =	sdelay $0x4  }
0x1f9: {  	v52 =	vmul.f32 v42, v52;
	_ =	sdelay $0x1  }
0x1fa: {  	v51 =	vadd.f32 v51, v52;
	v52 =	vld [tilespmem:$0x1FF90];
	_ =	sdelay $0x4  }
0x1fb: {  	v52 =	vmul.f32 v41, v52;
	_ =	sdelay $0x1  }
0x1fc: {  	v51 =	vadd.f32 v51, v52;
	v52 =	vld [tilespmem:$0x1FFA0];
	_ =	sdelay $0x4  }
0x1fd: {  	v52 =	vmul.f32 v40, v52;
	_ =	sdelay $0x1  }
0x1fe: {  	v51 =	vadd.f32 v51, v52;
	v52 =	vld [tilespmem:$0x1FFB0];
	_ =	sdelay $0x4  }
0x1ff: {  	v52 =	vmul.f32 v37, v52;
	_ =	sdelay $0x1  }
0x200: {  	v51 =	vadd.f32 v51, v52;
	v52 =	vld [tilespmem:$0x1FFC0];
	_ =	sdelay $0x4  }
0x201: {  	v52 =	vmul.f32 v38, v52;
	_ =	sdelay $0x1  }
0x202: {  	v51 =	vadd.f32 v51, v52;
	v52 =	vld [tilespmem:$0x1FFD0];
	_ =	sdelay $0x4  }
0x203: {  	v52 =	vmul.f32 v36, v52;
	_ =	sdelay $0x1  }
0x204: {  	v51 =	vadd.f32 v51, v52;
	v52 =	vld [tilespmem:$0x1FFE0];
	_ =	sdelay $0x4  }
0x205: {  	v52 =	vmul.f32 v35, v52;
	_ =	sdelay $0x1  }
0x206: {  	v51 =	vadd.f32 v51, v52;
	v52 =	vld [tilespmem:$0x1FFF0];
	_ =	sdelay $0x4  }
0x207: {  	v52 =	vmul.f32 v39, v52;
	_ =	sdelay $0x1  }
0x208: {  	v51 =	vadd.f32 v51, v52;
	v52 =	vmul.f32 v43, v57;
	_ =	sdelay $0x1  }
0x209: {  	v51 =	vadd.f32 v51, v52;
	v52 =	vmul.f32 v44, v58;
	_ =	sdelay $0x1  }
0x20a: {  	v51 =	vadd.f32 v51, v52;
	v52 =	vmul.f32 v45, v59;
	_ =	sdelay $0x1  }
0x20b: {  	v51 =	vadd.f32 v51, v52;
	v52 =	vmul.f32 v46, v60;
	_ =	sdelay $0x1  }
0x20c: {  	v51 =	vadd.f32 v51, v52;
	v52 =	vmul.f32 v47, v61;
	_ =	sdelay $0x1  }
0x20d: {  	v51 =	vadd.f32 v51, v52;
	v52 =	vmul.f32 v48, v62;
	_ =	sdelay $0x1  }
0x20e: {  	v51 =	vadd.f32 v51, v52;
	v52 =	vmul.f32 v49, v63;
	_ =	sdelay $0x1  }
0x20f: {  	v53 =	vadd.s32 $0x8, v33;
	v51 =	vadd.f32 v51, v52;
	v52 =	vmul.f32 v50, v0  }
0x210: {  	v54 =	vadd.s32 $0x8, v34  }
0x211: {  	s19 =	sor.u32 s16, s17;
	v51 =	vadd.f32 v51, v52  }
0x212: {  	s19 =	sor.u32 $0x380, s19  }
0x213: {  	[tilespmem:s19+$0x10A80] =	vst v51  }
0x214: {  	v51 =	vld.idx.msk [tilespmem:v53+s23+$0x0], $0xffff  }
0x215: {  	v52 =	vld.idx.msk [tilespmem:v54+s24+$0x0], $0xffff;
	_ =	sdelay $0x4  }
0x216: {  	v51 =	vadd.f32 v52, v51;
	v52 =	vmul.f32 v42, v1;
	_ =	sdelay $0x1  }
0x217: {  	v51 =	vadd.f32 v51, v52;
	v52 =	vmul.f32 v41, v2;
	_ =	sdelay $0x1  }
0x218: {  	v51 =	vadd.f32 v51, v52;
	v52 =	vmul.f32 v40, v3;
	_ =	sdelay $0x1  }
0x219: {  	v51 =	vadd.f32 v51, v52;
	v52 =	vmul.f32 v37, v4;
	_ =	sdelay $0x1  }
0x21a: {  	v51 =	vadd.f32 v51, v52;
	v52 =	vmul.f32 v38, v5;
	_ =	sdelay $0x1  }
0x21b: {  	v51 =	vadd.f32 v51, v52;
	v52 =	vmul.f32 v36, v6;
	_ =	sdelay $0x1  }
0x21c: {  	v51 =	vadd.f32 v51, v52;
	v52 =	vmul.f32 v35, v7;
	_ =	sdelay $0x1  }
0x21d: {  	v51 =	vadd.f32 v51, v52;
	v52 =	vmul.f32 v39, v8;
	_ =	sdelay $0x1  }
0x21e: {  	v51 =	vadd.f32 v51, v52;
	v52 =	vmul.f32 v43, v9;
	_ =	sdelay $0x1  }
0x21f: {  	v51 =	vadd.f32 v51, v52;
	v52 =	vmul.f32 v44, v10;
	_ =	sdelay $0x1  }
0x220: {  	v51 =	vadd.f32 v51, v52;
	v52 =	vmul.f32 v45, v11;
	_ =	sdelay $0x1  }
0x221: {  	v51 =	vadd.f32 v51, v52;
	v52 =	vmul.f32 v46, v12;
	_ =	sdelay $0x1  }
0x222: {  	v51 =	vadd.f32 v51, v52;
	v52 =	vmul.f32 v47, v13;
	_ =	sdelay $0x1  }
0x223: {  	v51 =	vadd.f32 v51, v52;
	v52 =	vmul.f32 v48, v14;
	_ =	sdelay $0x1  }
0x224: {  	v51 =	vadd.f32 v51, v52;
	v52 =	vmul.f32 v49, v15;
	_ =	sdelay $0x1  }
0x225: {  	v33 =	vadd.s32 $0x9, v33;
	v51 =	vadd.f32 v51, v52;
	v52 =	vmul.f32 v50, v16  }
0x226: {  	v34 =	vadd.s32 $0x9, v34  }
0x227: {  	v51 =	vadd.f32 v51, v52;
	_ =	sdelay $0x1  }
0x228: {  	[tilespmem:s18+$0x11A80] =	vst v51  }
0x229: {  	v33 =	vld.idx.msk [tilespmem:v33+s23+$0x0], $0xffff  }
0x22a: {  	v34 =	vld.idx.msk [tilespmem:v34+s24+$0x0], $0xffff;
	_ =	sdelay $0x4  }
0x22b: {  	v53 =	vmul.f32 v42, v17;
	v33 =	vadd.f32 v34, v33;
	_ =	sdelay $0x1  }
0x22c: {  	v54 =	vmul.f32 v41, v18;
	v33 =	vadd.f32 v33, v53;
	_ =	sdelay $0x1  }
0x22d: {  	v55 =	vmul.f32 v40, v19;
	v33 =	vadd.f32 v33, v54;
	_ =	sdelay $0x1  }
0x22e: {  	v37 =	vmul.f32 v37, v20;
	v33 =	vadd.f32 v33, v55;
	_ =	sdelay $0x1  }
0x22f: {  	v38 =	vmul.f32 v38, v21;
	v33 =	vadd.f32 v33, v37;
	_ =	sdelay $0x1  }
0x230: {  	v40 =	vmul.f32 v36, v22;
	v33 =	vadd.f32 v33, v38;
	_ =	sdelay $0x1  }
0x231: {  	v41 =	vmul.f32 v35, v23;
	v33 =	vadd.f32 v33, v40;
	_ =	sdelay $0x1  }
0x232: {  	v42 =	vmul.f32 v39, v24;
	v33 =	vadd.f32 v33, v41;
	_ =	sdelay $0x1  }
0x233: {  	v43 =	vmul.f32 v43, v25;
	v33 =	vadd.f32 v33, v42;
	_ =	sdelay $0x1  }
0x234: {  	v44 =	vmul.f32 v44, v26;
	v33 =	vadd.f32 v33, v43;
	_ =	sdelay $0x1  }
0x235: {  	v45 =	vmul.f32 v45, v27;
	v33 =	vadd.f32 v33, v44;
	_ =	sdelay $0x1  }
0x236: {  	v51 =	vmul.f32 v46, v28;
	v33 =	vadd.f32 v33, v45;
	_ =	sdelay $0x1  }
0x237: {  	v52 =	vmul.f32 v47, v29;
	v33 =	vadd.f32 v33, v51;
	_ =	sdelay $0x1  }
0x238: {  	v53 =	vmul.f32 v48, v30;
	v33 =	vadd.f32 v33, v52;
	_ =	sdelay $0x1  }
0x239: {  	v54 =	vmul.f32 v49, v31;
	v33 =	vadd.f32 v33, v53  }
0x23a: {  	p0 =	sne.s32 s17, $0x1F0  }
.Ltmp0:
0x23b: {  	v55 =	vmul.f32 v50, v32;
	v33 =	vadd.f32 v33, v54;
	(pc) =	sbr.rel @p0 .LBB2_2-.Ltmp0, $4  }
0x23c: {  	_ = 	snop  }
0x23d: {  	v33 =	vadd.f32 v33, v55  }
0x23e: {  	s31 =	sadd.s32 $0x10, s31;
	s1 =	sadd.s32 $0x10, s1  }
0x23f: {  	s0 =	sadd.s32 $0x10, s0;
	s16 =	sadd.s32 $0x80, s16;
	s17 =	sadd.s32 $0x10, s17;
	[tilespmem:s18+$0x11B00] =	vst v33  }
0x240: {  	s30 =	sadd.s32 $0x1, s30  }
0x241: {  	p0 =	sne.s32 s30, s12  }
.Ltmp1:
0x242: {  	_ = 	snop;
	(pc) =	sbr.rel @p0 .LBB2_1-.Ltmp1, $4  }
0x243: {  	[hbm4b:s11+s26] =	stream.strided.scatter [tilespmem:s29], [sflag:$0x2], $0x2000, s28, s26, $0x38;
	[tilespmem:$0x12A80] =	vst v63  }
0x244: {  	_ =	swait.ge [sflag:s13], $0x2000  }
0x245: {  	[sflag:s13] =	ssyncset.done $0x0  }
0x246: {  	[sflag:s13] =	ssyncadd.s32 $0xFFFFE000  }
0x247: {  	_ =	sfence.sel $0x180000  }
0x248: {  	[bflag:$0x0] =	sbarrier.arrive $0xFFFF  }
0x249: {  	_ =	strace $0x90000047  }
0x24a: {  	s0 =	stileid.u32;
	[bflag:$0x2] =	sbarrier.arrive $0xFFFF  }
0x24b: {  	p0 =	sne.s32 s0, $0x0;
	s0 =	rddreg [dreg:$0x2]  }
0x24c: {  	s0 =	sadd.s32 @!p0 $0x100000, s0  }
0x24d: {  	[sflag:s0] =	ssyncadd.tile.s32 @!p0 $0x1;
	_ =	shalt  }
.Lfunc_end2:
_tile_overlayer_lowered:
.L_overlay_start_2:
0x24e: {  	(tag) =	ssettag $0x2  }
0x24f: {  	s0 =	rddreg [dreg:$0x0];
	s2 =	stileid.u32  }
0x250: {  	s1 =	rddreg [dreg:$0x1];
	p0 =	sne.s32 s2, $0x0  }
0x251: {  	s3 =	rddreg [dreg:$0x2];
	[bflag:$0x3] =	sbarrier.arrive $0xFFFF;
	s2 =	simm.s32 @!p0 $0x1C02  }
0x252: {  	[timem:s3], [sflag:s2] =	dma.local @!p0 [hbm:s0], s1  }
0x253: {  	s0 =	simm.s32 @!p0 $0x2  }
0x254: {  	_ =	swait.ge @!p0 [sflag:s0], s1  }
0x255: {  	s1 =	ssub.s32 @!p0 $0x0, s1;
	[sflag:s0] =	ssyncset.done @!p0 $0x0  }
0x256: {  	[sflag:s0] =	ssyncadd.s32 @!p0 s1  }
0x257: {  	[bflag:$0x3] =	sbarrier.arrive $0xFFFF  }
0x258: {  	_ =	shalt  }

</sc_bundles>
